<compile_context>
chip_gen: v7x
topology: tpu7x:2x2x1
jax: 0.10.2.dev20260603
libtpu: 0.0.44.dev20260713+nightly
codegen_flags: <defaults>
</compile_context>

<pallas_src>
import jax
import jax.numpy as jnp
from jax.experimental import pallas as pl
from jax.experimental.pallas import tpu as pltpu
from jax.experimental.pallas import tpu_sc as plsc

_D = 768
_FF = 256
_E = 64
_K = 2
_T = 2048
_FFS = 512
_BT = 64
_MT = 128
_NSLOT = _MT * _BT
_NA = _K * _T
_CH = 256
_SC_NC = 2
_SC_NS = 16
_NW = _SC_NC * _SC_NS


def _router_body(x_ref, wg_ref, w01_ref, pos_ref, texp_ref, tslot_ref,
                 nact_ref, ef_scr, rank_scr):
    x = x_ref[...]
    wg = wg_ref[...]
    logits = jax.lax.dot_general(
        x, wg, (((1,), (1,)), ((), ())),
        preferred_element_type=jnp.float32)
    colid = jax.lax.broadcasted_iota(jnp.int32, (_T, _E), 1)
    m1 = jnp.max(logits, axis=1, keepdims=True)
    i1 = jnp.min(jnp.where(logits == m1, colid, _E), axis=1, keepdims=True)
    lmask = jnp.where(colid == i1, -jnp.inf, logits)
    m2 = jnp.max(lmask, axis=1, keepdims=True)
    i2 = jnp.min(jnp.where(lmask == m2, colid, _E), axis=1, keepdims=True)
    s1 = jax.nn.sigmoid(m1)
    s2 = jax.nn.sigmoid(m2)
    den = s1 + s2 + 1e-10
    w01_ref[:, 0:1] = s1 / den
    w01_ref[:, 1:2] = s2 / den
    ef_scr[0:_T, :] = i1
    ef_scr[_T:_NA, :] = i2

    tri = jnp.where(
        jax.lax.broadcasted_iota(jnp.int32, (_CH, _CH), 0)
        > jax.lax.broadcasted_iota(jnp.int32, (_CH, _CH), 1),
        1.0, 0.0).astype(jnp.float32)
    eidrow = jax.lax.broadcasted_iota(jnp.int32, (_CH, _E), 1)
    nch = _NA // _CH

    def pass1(ci, carry):
        ec = ef_scr[pl.ds(ci * _CH, _CH), :]
        oh = jnp.where(ec == eidrow, 1.0, 0.0).astype(jnp.float32)
        cume = jax.lax.dot_general(
            tri, oh, (((1,), (0,)), ((), ())),
            preferred_element_type=jnp.float32,
            precision=jax.lax.Precision.HIGHEST)
        rank = jnp.sum((cume + carry) * oh, axis=1, keepdims=True)
        rank_scr[pl.ds(ci * _CH, _CH), :] = rank
        return carry + jnp.sum(oh, axis=0, keepdims=True)

    counts = jax.lax.fori_loop(0, nch, pass1, jnp.zeros((1, _E), jnp.float32))
    ci_ = counts.astype(jnp.int32)
    pg = ((ci_ + (_BT - 1)) // _BT) * _BT
    pgf = pg.astype(jnp.float32)
    upp = jnp.where(
        jax.lax.broadcasted_iota(jnp.int32, (_E, _E), 0)
        < jax.lax.broadcasted_iota(jnp.int32, (_E, _E), 1),
        1.0, 0.0).astype(jnp.float32)
    poff = jax.lax.dot_general(
        pgf, upp, (((1,), (0,)), ((), ())),
        preferred_element_type=jnp.float32,
        precision=jax.lax.Precision.HIGHEST)
    poff_next = poff + pgf

    def pass2(ci, _):
        ec = ef_scr[pl.ds(ci * _CH, _CH), :]
        oh = jnp.where(ec == eidrow, 1.0, 0.0).astype(jnp.float32)
        posc = rank_scr[pl.ds(ci * _CH, _CH), :] + jnp.sum(
            oh * poff, axis=1, keepdims=True)
        pos_ref[pl.ds(ci * _CH, _CH), :] = posc.astype(jnp.int32)
        return 0

    jax.lax.fori_loop(0, nch, pass2, 0)

    nact = jnp.sum(pg) // _BT
    midc = jax.lax.broadcasted_iota(jnp.int32, (_MT, 1), 0)
    rbase = (midc * _BT).astype(jnp.float32)
    seg_end_le = jnp.where(poff_next <= rbase, 1.0, 0.0)
    texp_raw = jnp.minimum(
        jnp.sum(seg_end_le, axis=1, keepdims=True).astype(jnp.int32), _E - 1)
    texp_last = jnp.sum(jnp.where(midc == nact - 1, texp_raw, 0))
    texp_ref[...] = jnp.where(midc < nact, texp_raw, texp_last)
    tslot_ref[...] = jnp.where(midc < nact, midc, nact - 1)
    nact_ref[...] = jnp.reshape(nact, (1, 1))


def _run_router(x2d, wg):
    return pl.pallas_call(
        _router_body,
        out_shape=[
            jax.ShapeDtypeStruct((_T, _K), jnp.float32),
            jax.ShapeDtypeStruct((_NA, 1), jnp.int32),
            jax.ShapeDtypeStruct((_MT, 1), jnp.int32),
            jax.ShapeDtypeStruct((_MT, 1), jnp.int32),
            jax.ShapeDtypeStruct((1, 1), jnp.int32),
        ],
        scratch_shapes=[
            pltpu.VMEM((_NA, 1), jnp.int32),
            pltpu.VMEM((_NA, 1), jnp.float32),
        ],
    )(x2d, wg)


def _dispatch_body(x_hbm, pos_hbm, xs_hbm, rows_v, idx0_v, idx1_v, sem):
    c = jax.lax.axis_index("c")
    s = jax.lax.axis_index("s")
    wid = s * _SC_NC + c
    ntok = _T // _NW
    t0 = wid * ntok
    pltpu.sync_copy(pos_hbm.at[pl.ds(t0, ntok)], idx0_v)
    pltpu.sync_copy(pos_hbm.at[pl.ds(_T + t0, ntok)], idx1_v)
    pltpu.sync_copy(x_hbm.at[pl.ds(t0, ntok)], rows_v)
    cp0 = pltpu.make_async_copy(rows_v, xs_hbm.at[idx0_v], sem)
    cp1 = pltpu.make_async_copy(rows_v, xs_hbm.at[idx1_v], sem)
    cp0.start()
    cp1.start()
    cp0.wait()
    cp1.wait()


def _run_dispatch(x2d, pos_flat):
    return pl.kernel(
        _dispatch_body,
        out_type=jax.ShapeDtypeStruct((_NSLOT, _D), jnp.float32),
        mesh=plsc.VectorSubcoreMesh(core_axis_name="c", subcore_axis_name="s"),
        scratch_types=[
            pltpu.VMEM((_T // _NW, _D), jnp.float32),
            pltpu.VMEM((_T // _NW,), jnp.int32),
            pltpu.VMEM((_T // _NW,), jnp.int32),
            pltpu.SemaphoreType.DMA,
        ],
    )(x2d, pos_flat)


def _gemm_body(te_ref, ts_ref, na_ref, xs_ref, w1_ref, b1_ref, w3_ref,
               b3_ref, w2_ref, b2_ref, z_ref):
    m = pl.program_id(0)

    @pl.when(m < na_ref[0])
    def _():
        xt = xs_ref[...].astype(jnp.bfloat16)

        def dotc(a, b):
            return jax.lax.dot_general(
                a, b.astype(jnp.bfloat16), (((1,), (1,)), ((), ())),
                preferred_element_type=jnp.float32)

        h1 = dotc(xt, w1_ref[0]) + b1_ref[0]
        h3 = dotc(xt, w3_ref[0]) + b3_ref[0]
        h = (h1 * jax.nn.sigmoid(h1) * h3).astype(jnp.bfloat16)
        z_ref[...] = dotc(h, w2_ref[0]) + b2_ref[0]


def _run_gemm(texp, tslot, nact, xs, w1, b1, w3, b3, w2, b2):
    grid_spec = pltpu.PrefetchScalarGridSpec(
        num_scalar_prefetch=3,
        grid=(_MT,),
        in_specs=[
            pl.BlockSpec((_BT, _D), lambda m, te, ts, na: (ts[m], 0)),
            pl.BlockSpec((1, _FF, _D), lambda m, te, ts, na: (te[m], 0, 0)),
            pl.BlockSpec((1, 1, _FF), lambda m, te, ts, na: (te[m], 0, 0)),
            pl.BlockSpec((1, _FF, _D), lambda m, te, ts, na: (te[m], 0, 0)),
            pl.BlockSpec((1, 1, _FF), lambda m, te, ts, na: (te[m], 0, 0)),
            pl.BlockSpec((1, _D, _FF), lambda m, te, ts, na: (te[m], 0, 0)),
            pl.BlockSpec((1, 1, _D), lambda m, te, ts, na: (te[m], 0, 0)),
        ],
        out_specs=pl.BlockSpec((_BT, _D), lambda m, te, ts, na: (ts[m], 0)),
    )
    return pl.pallas_call(
        _gemm_body,
        grid_spec=grid_spec,
        out_shape=jax.ShapeDtypeStruct((_NSLOT, _D), jnp.float32),
    )(texp, tslot, nact, xs, w1, b1, w3, b3, w2, b2)


def _gatherz_body(z_hbm, pos_hbm, zg_hbm, rows_v, idx_v, sem):
    c = jax.lax.axis_index("c")
    s = jax.lax.axis_index("s")
    wid = s * _SC_NC + c
    nrow = _NA // _NW
    r0 = wid * nrow
    pltpu.sync_copy(pos_hbm.at[pl.ds(r0, nrow)], idx_v)
    pltpu.async_copy(z_hbm.at[idx_v], rows_v, sem).wait()
    pltpu.sync_copy(rows_v, zg_hbm.at[pl.ds(r0, nrow)])


def _run_gatherz(z, pos_flat):
    return pl.kernel(
        _gatherz_body,
        out_type=jax.ShapeDtypeStruct((_NA, _D), jnp.float32),
        mesh=plsc.VectorSubcoreMesh(core_axis_name="c", subcore_axis_name="s"),
        scratch_types=[
            pltpu.VMEM((_NA // _NW, _D), jnp.float32),
            pltpu.VMEM((_NA // _NW,), jnp.int32),
            pltpu.SemaphoreType.DMA,
        ],
    )(z, pos_flat)


_TB = 128


def _combine_body(x_ref, zg0_ref, zg1_ref, w_ref, sw1_ref, sb1_ref, sw3_ref,
                  sb3_ref, sw2_ref, sb2_ref, out_ref):
    x = x_ref[...]
    g1 = jax.lax.dot_general(
        x, sw1_ref[...], (((1,), (1,)), ((), ())),
        preferred_element_type=jnp.float32) + sb1_ref[...]
    g3 = jax.lax.dot_general(
        x, sw3_ref[...], (((1,), (1,)), ((), ())),
        preferred_element_type=jnp.float32) + sb3_ref[...]
    hs = g1 * jax.nn.sigmoid(g1) * g3
    sh = jax.lax.dot_general(
        hs, sw2_ref[...], (((1,), (1,)), ((), ())),
        preferred_element_type=jnp.float32) + sb2_ref[...]
    out_ref[...] = (w_ref[:, 0:1] * zg0_ref[...]
                    + w_ref[:, 1:2] * zg1_ref[...] + sh)


def _run_combine(x2d, zg, w01, sw1, sb1, sw3, sb3, sw2, sb2):
    nb = _T // _TB
    return pl.pallas_call(
        _combine_body,
        grid=(nb,),
        in_specs=[
            pl.BlockSpec((_TB, _D), lambda i: (i, 0)),
            pl.BlockSpec((_TB, _D), lambda i: (i, 0)),
            pl.BlockSpec((_TB, _D), lambda i: (i + nb, 0)),
            pl.BlockSpec((_TB, _K), lambda i: (i, 0)),
            pl.BlockSpec((_FFS, _D), lambda i: (0, 0)),
            pl.BlockSpec((1, _FFS), lambda i: (0, 0)),
            pl.BlockSpec((_FFS, _D), lambda i: (0, 0)),
            pl.BlockSpec((1, _FFS), lambda i: (0, 0)),
            pl.BlockSpec((_D, _FFS), lambda i: (0, 0)),
            pl.BlockSpec((1, _D), lambda i: (0, 0)),
        ],
        out_specs=pl.BlockSpec((_TB, _D), lambda i: (i, 0)),
        out_shape=jax.ShapeDtypeStruct((_T, _D), jnp.float32),
    )(x2d, zg, zg, w01, sw1, sb1, sw3, sb3, sw2, sb2)


def kernel(x, Wg, W1, b1, W3, b3, W2, b2, sw1, sb1, sw3, sb3, sw2, sb2):
    bsz, seq_len, d = x.shape
    x2d = x.reshape(-1, d)

    w01, pos2d, texp2d, tslot2d, nact2d = _run_router(x2d, Wg)
    pos_flat = pos2d.reshape(_NA)
    texp = texp2d.reshape(_MT)
    tslot = tslot2d.reshape(_MT)
    nact = nact2d.reshape(1)

    xs = _run_dispatch(x2d, pos_flat)
    z = _run_gemm(texp, tslot, nact, xs, W1,
                  b1.reshape(_E, 1, _FF), W3, b3.reshape(_E, 1, _FF),
                  W2, b2.reshape(_E, 1, _D))
    zg = _run_gatherz(z, pos_flat)
    out2d = _run_combine(x2d, zg, w01,
                         sw1, sb1.reshape(1, _FFS),
                         sw3, sb3.reshape(1, _FFS),
                         sw2, sb2.reshape(1, _D))
    return out2d.reshape(bsz, seq_len, d)

# --- scband reference (transcript-rebuilt; emitter-appended) ---
"""Pipeline reference for scband-moe-38792144617564 (READ-ONLY COPY).

The authoritative reference and input builder live on the scoring server;
editing this copy changes nothing except your own understanding.
"""

import jax, jax.numpy as jnp
import numpy as np

D = 768
FF = 256
E = 64
K = 2
NS = 2
FFS = FF * NS
B, S = 1, 2048


def setup_inputs(seed: int = 0) -> dict:
    key = jax.random.key(seed)
    ks = jax.random.split(key, 16)

    def lin(k, shape, fan_in):
        return jax.random.normal(k, shape, dtype=jnp.float32) * (1.0 / np.sqrt(fan_in))

    inp = {
        "x": jax.random.normal(ks[0], (B, S, D), dtype=jnp.float32),
        "Wg": lin(ks[1], (E, D), D),
        "W1": lin(ks[2], (E, FF, D), D),
        "b1": jnp.zeros((E, FF), dtype=jnp.float32),
        "W3": lin(ks[3], (E, FF, D), D),
        "b3": jnp.zeros((E, FF), dtype=jnp.float32),
        "W2": lin(ks[4], (E, D, FF), FF),
        "b2": jnp.zeros((E, D), dtype=jnp.float32),
        "sw1": lin(ks[5], (FFS, D), D),
        "sb1": jnp.zeros((FFS,), dtype=jnp.float32),
        "sw3": lin(ks[6], (FFS, D), D),
        "sb3": jnp.zeros((FFS,), dtype=jnp.float32),
        "sw2": lin(ks[7], (D, FFS), FFS),
        "sb2": jnp.zeros((D,), dtype=jnp.float32),
    }
    return inp


def reference(x, Wg, W1, b1, W3, b3, W2, b2, sw1, sb1, sw3, sb3, sw2, sb2):
    bsz, seq_len, d = x.shape
    xf = x.reshape(-1, d)
    T = xf.shape[0]
    # Gate (eval mode): sigmoid scores, top-k on biased logits (expert_bias buffer is zeros)
    logits = xf @ Wg.T
    scores = jax.nn.sigmoid(logits)
    expert_bias = jnp.zeros((E,), dtype=jnp.float32)
    biased = logits + expert_bias[None, :]
    _, topi = jax.lax.top_k(biased, K)
    topw = jnp.take_along_axis(scores, topi, axis=-1)
    denom = topw.sum(axis=-1, keepdims=True) + 1e-10
    topw = topw / denom
    # Combine weights [T, E] via scatter-add
    cw = jnp.zeros((T, E), dtype=xf.dtype).at[jnp.arange(T)[:, None], topi].add(topw)
    # Routed experts (SwiGLU MLPs), combined by gate weights
    y = jnp.zeros_like(xf)
    for e in range(E):
        h = jax.nn.silu(xf @ W1[e].T + b1[e]) * (xf @ W3[e].T + b3[e])
        y = y + cw[:, e:e + 1] * (h @ W2[e].T + b2[e])
    # Fused shared experts on identity
    sh = (jax.nn.silu(xf @ sw1.T + sb1) * (xf @ sw3.T + sb3)) @ sw2.T + sb2
    out = (y + sh).reshape(bsz, seq_len, d)
    return out

if __name__ == "__main__":
    import jax
    _d = setup_inputs()
    print(jax.jit(kernel)(*tuple(_d.values())))

</pallas_src>

<mosaic_0001>
#map = affine_map<(d0, d1) -> (0, 0)>
#map1 = affine_map<(d0, d1) -> (0)>
module attributes {stable_mosaic.version = 14 : i64} {
  func.func @_gatherz_body(%arg0: i32, %arg1: i32, %arg2: memref<8192x768xf32, #tpu.memory_space<hbm>>, %arg3: memref<4096xi32, #tpu.memory_space<hbm>>, %arg4: memref<4096x768xf32, #tpu.memory_space<hbm>>, %arg5: memref<128x768xf32, #tpu.memory_space<vmem>>, %arg6: memref<128xi32, #tpu.memory_space<vmem>>, %arg7: memref<!tpu.dma_semaphore, #tpu.memory_space<semaphore_mem>>) attributes {dimension_semantics = [#tpu.dimension_semantics<core_parallel>, #tpu.dimension_semantics<subcore_parallel>], iteration_bounds = array<i64: 2, 16>, scalar_prefetch = 0 : i64, scratch_operands = 3 : i64, tpu.core_type = #tpu.core_type<sc_vector_subcore>, window_params = [{transform_indices = #map}, {transform_indices = #map1}, {transform_indices = #map}]} {
    %mul3A = arith.constant 2 : i32
    %mul3A_0 = arith.muli %arg1, %mul3A : i32
    %add3A = arith.addi %mul3A_0, %arg0 : i32
    %mul3A_1 = arith.constant 128 : i32
    %mul3A_2 = arith.muli %add3A, %mul3A_1 : i32
    "tpu.region"() ({
      %run_scoped3A = tpu.sem_alloc : memref<!tpu.dma_semaphore, #tpu.memory_space<semaphore_mem>>
      %dma_start3A_7 = tpu.memref_slice %arg3[%mul3A_2] : memref<4096xi32, #tpu.memory_space<hbm>> -> memref<128xi32, #tpu.memory_space<hbm>>
      %dma_start3A_8 = tpu.memref_slice %arg3[%mul3A_2] : memref<4096xi32, #tpu.memory_space<hbm>> -> memref<128xi32, #tpu.memory_space<hbm>>
      tpu.enqueue_dma source(%dma_start3A_8 : memref<128xi32, #tpu.memory_space<hbm>>) target(%arg6 : memref<128xi32, #tpu.memory_space<vmem>>) target_semaphore(%run_scoped3A : memref<!tpu.dma_semaphore, #tpu.memory_space<semaphore_mem>>)
      %dma_wait3A_9 = tpu.memref_slice %arg3[%mul3A_2] : memref<4096xi32, #tpu.memory_space<hbm>> -> memref<128xi32, #tpu.memory_space<hbm>>
      %dma_wait3A_10 = tpu.memref_slice %arg3[%mul3A_2] : memref<4096xi32, #tpu.memory_space<hbm>> -> memref<128xi32, #tpu.memory_space<hbm>>
      tpu.wait_dma2 semaphore(%run_scoped3A : memref<!tpu.dma_semaphore, #tpu.memory_space<semaphore_mem>>) src(%dma_wait3A_10 : memref<128xi32, #tpu.memory_space<hbm>>) dst(%arg6 : memref<128xi32, #tpu.memory_space<vmem>>)
      tpu.yield
    }) : () -> ()
    %dma_start3A = arith.constant 0 : i32
    %dma_start3A_3 = arith.constant 0 : i32
    %dma_start3A_4 = tpu.memref_slice %arg2[%dma_start3A, %dma_start3A_3] : memref<8192x768xf32, #tpu.memory_space<hbm>> -> memref<8192x768xf32, #tpu.memory_space<hbm>>
    tpu.enqueue_indirect_dma source(%dma_start3A_4 : memref<8192x768xf32, #tpu.memory_space<hbm>>) target(%arg5 : memref<128x768xf32, #tpu.memory_space<vmem>>) offsets(%arg6 : memref<128xi32, #tpu.memory_space<vmem>>) semaphore(%arg7 : memref<!tpu.dma_semaphore, #tpu.memory_space<semaphore_mem>>)
    %dma_wait3A = arith.constant 0 : i32
    %dma_wait3A_5 = arith.constant 0 : i32
    %dma_wait3A_6 = tpu.memref_slice %arg2[%dma_wait3A, %dma_wait3A_5] : memref<8192x768xf32, #tpu.memory_space<hbm>> -> memref<8192x768xf32, #tpu.memory_space<hbm>>
    tpu.wait_indirect_dma semaphore(%arg7 : memref<!tpu.dma_semaphore, #tpu.memory_space<semaphore_mem>>) src(%dma_wait3A_6 : memref<8192x768xf32, #tpu.memory_space<hbm>>) dst(%arg5 : memref<128x768xf32, #tpu.memory_space<vmem>>)
    "tpu.region"() ({
      %run_scoped3A = tpu.sem_alloc : memref<!tpu.dma_semaphore, #tpu.memory_space<semaphore_mem>>
      %dma_start3A_7 = arith.constant 0 : i32
      %dma_start3A_8 = tpu.memref_slice %arg4[%mul3A_2, %dma_start3A_7] : memref<4096x768xf32, #tpu.memory_space<hbm>> -> memref<128x768xf32, #tpu.memory_space<hbm>>
      %dma_start3A_9 = arith.constant 0 : i32
      %dma_start3A_10 = tpu.memref_slice %arg4[%mul3A_2, %dma_start3A_9] : memref<4096x768xf32, #tpu.memory_space<hbm>> -> memref<128x768xf32, #tpu.memory_space<hbm>>
      tpu.enqueue_dma source(%arg5 : memref<128x768xf32, #tpu.memory_space<vmem>>) target(%dma_start3A_10 : memref<128x768xf32, #tpu.memory_space<hbm>>) target_semaphore(%run_scoped3A : memref<!tpu.dma_semaphore, #tpu.memory_space<semaphore_mem>>)
      %dma_wait3A_11 = arith.constant 0 : i32
      %dma_wait3A_12 = tpu.memref_slice %arg4[%mul3A_2, %dma_wait3A_11] : memref<4096x768xf32, #tpu.memory_space<hbm>> -> memref<128x768xf32, #tpu.memory_space<hbm>>
      %dma_wait3A_13 = arith.constant 0 : i32
      %dma_wait3A_14 = tpu.memref_slice %arg4[%mul3A_2, %dma_wait3A_13] : memref<4096x768xf32, #tpu.memory_space<hbm>> -> memref<128x768xf32, #tpu.memory_space<hbm>>
      tpu.wait_dma2 semaphore(%run_scoped3A : memref<!tpu.dma_semaphore, #tpu.memory_space<semaphore_mem>>) src(%arg5 : memref<128x768xf32, #tpu.memory_space<vmem>>) dst(%dma_wait3A_14 : memref<128x768xf32, #tpu.memory_space<hbm>>)
      tpu.yield
    }) : () -> ()
    return
  }
}

#map = affine_map<(d0, d1) -> (0, 0)>
#map1 = affine_map<(d0, d1) -> (0)>
module attributes {stable_mosaic.version = 14 : i64} {
  func.func @_dispatch_body(%arg0: i32, %arg1: i32, %arg2: memref<2048x768xf32, #tpu.memory_space<hbm>>, %arg3: memref<4096xi32, #tpu.memory_space<hbm>>, %arg4: memref<8192x768xf32, #tpu.memory_space<hbm>>, %arg5: memref<64x768xf32, #tpu.memory_space<vmem>>, %arg6: memref<64xi32, #tpu.memory_space<vmem>>, %arg7: memref<64xi32, #tpu.memory_space<vmem>>, %arg8: memref<!tpu.dma_semaphore, #tpu.memory_space<semaphore_mem>>) attributes {dimension_semantics = [#tpu.dimension_semantics<core_parallel>, #tpu.dimension_semantics<subcore_parallel>], iteration_bounds = array<i64: 2, 16>, scalar_prefetch = 0 : i64, scratch_operands = 4 : i64, tpu.core_type = #tpu.core_type<sc_vector_subcore>, window_params = [{transform_indices = #map}, {transform_indices = #map1}, {transform_indices = #map}]} {
    %mul3A = arith.constant 2 : i32
    %mul3A_0 = arith.muli %arg1, %mul3A : i32
    %add3A = arith.addi %mul3A_0, %arg0 : i32
    %mul3A_1 = arith.constant 64 : i32
    %mul3A_2 = arith.muli %add3A, %mul3A_1 : i32
    "tpu.region"() ({
      %run_scoped3A = tpu.sem_alloc : memref<!tpu.dma_semaphore, #tpu.memory_space<semaphore_mem>>
      %dma_start3A_15 = tpu.memref_slice %arg3[%mul3A_2] : memref<4096xi32, #tpu.memory_space<hbm>> -> memref<64xi32, #tpu.memory_space<hbm>>
      %dma_start3A_16 = tpu.memref_slice %arg3[%mul3A_2] : memref<4096xi32, #tpu.memory_space<hbm>> -> memref<64xi32, #tpu.memory_space<hbm>>
      tpu.enqueue_dma source(%dma_start3A_16 : memref<64xi32, #tpu.memory_space<hbm>>) target(%arg6 : memref<64xi32, #tpu.memory_space<vmem>>) target_semaphore(%run_scoped3A : memref<!tpu.dma_semaphore, #tpu.memory_space<semaphore_mem>>)
      %dma_wait3A_17 = tpu.memref_slice %arg3[%mul3A_2] : memref<4096xi32, #tpu.memory_space<hbm>> -> memref<64xi32, #tpu.memory_space<hbm>>
      %dma_wait3A_18 = tpu.memref_slice %arg3[%mul3A_2] : memref<4096xi32, #tpu.memory_space<hbm>> -> memref<64xi32, #tpu.memory_space<hbm>>
      tpu.wait_dma2 semaphore(%run_scoped3A : memref<!tpu.dma_semaphore, #tpu.memory_space<semaphore_mem>>) src(%dma_wait3A_18 : memref<64xi32, #tpu.memory_space<hbm>>) dst(%arg6 : memref<64xi32, #tpu.memory_space<vmem>>)
      tpu.yield
    }) : () -> ()
    %add3A_3 = arith.constant 2048 : i32
    %add3A_4 = arith.addi %add3A_3, %mul3A_2 : i32
    "tpu.region"() ({
      %run_scoped3A = tpu.sem_alloc : memref<!tpu.dma_semaphore, #tpu.memory_space<semaphore_mem>>
      %dma_start3A_15 = tpu.memref_slice %arg3[%add3A_4] : memref<4096xi32, #tpu.memory_space<hbm>> -> memref<64xi32, #tpu.memory_space<hbm>>
      %dma_start3A_16 = tpu.memref_slice %arg3[%add3A_4] : memref<4096xi32, #tpu.memory_space<hbm>> -> memref<64xi32, #tpu.memory_space<hbm>>
      tpu.enqueue_dma source(%dma_start3A_16 : memref<64xi32, #tpu.memory_space<hbm>>) target(%arg7 : memref<64xi32, #tpu.memory_space<vmem>>) target_semaphore(%run_scoped3A : memref<!tpu.dma_semaphore, #tpu.memory_space<semaphore_mem>>)
      %dma_wait3A_17 = tpu.memref_slice %arg3[%add3A_4] : memref<4096xi32, #tpu.memory_space<hbm>> -> memref<64xi32, #tpu.memory_space<hbm>>
      %dma_wait3A_18 = tpu.memref_slice %arg3[%add3A_4] : memref<4096xi32, #tpu.memory_space<hbm>> -> memref<64xi32, #tpu.memory_space<hbm>>
      tpu.wait_dma2 semaphore(%run_scoped3A : memref<!tpu.dma_semaphore, #tpu.memory_space<semaphore_mem>>) src(%dma_wait3A_18 : memref<64xi32, #tpu.memory_space<hbm>>) dst(%arg7 : memref<64xi32, #tpu.memory_space<vmem>>)
      tpu.yield
    }) : () -> ()
    "tpu.region"() ({
      %run_scoped3A = tpu.sem_alloc : memref<!tpu.dma_semaphore, #tpu.memory_space<semaphore_mem>>
      %dma_start3A_15 = arith.constant 0 : i32
      %dma_start3A_16 = tpu.memref_slice %arg2[%mul3A_2, %dma_start3A_15] : memref<2048x768xf32, #tpu.memory_space<hbm>> -> memref<64x768xf32, #tpu.memory_space<hbm>>
      %dma_start3A_17 = arith.constant 0 : i32
      %dma_start3A_18 = tpu.memref_slice %arg2[%mul3A_2, %dma_start3A_17] : memref<2048x768xf32, #tpu.memory_space<hbm>> -> memref<64x768xf32, #tpu.memory_space<hbm>>
      tpu.enqueue_dma source(%dma_start3A_18 : memref<64x768xf32, #tpu.memory_space<hbm>>) target(%arg5 : memref<64x768xf32, #tpu.memory_space<vmem>>) target_semaphore(%run_scoped3A : memref<!tpu.dma_semaphore, #tpu.memory_space<semaphore_mem>>)
      %dma_wait3A_19 = arith.constant 0 : i32
      %dma_wait3A_20 = tpu.memref_slice %arg2[%mul3A_2, %dma_wait3A_19] : memref<2048x768xf32, #tpu.memory_space<hbm>> -> memref<64x768xf32, #tpu.memory_space<hbm>>
      %dma_wait3A_21 = arith.constant 0 : i32
      %dma_wait3A_22 = tpu.memref_slice %arg2[%mul3A_2, %dma_wait3A_21] : memref<2048x768xf32, #tpu.memory_space<hbm>> -> memref<64x768xf32, #tpu.memory_space<hbm>>
      tpu.wait_dma2 semaphore(%run_scoped3A : memref<!tpu.dma_semaphore, #tpu.memory_space<semaphore_mem>>) src(%dma_wait3A_22 : memref<64x768xf32, #tpu.memory_space<hbm>>) dst(%arg5 : memref<64x768xf32, #tpu.memory_space<vmem>>)
      tpu.yield
    }) : () -> ()
    %dma_start3A = arith.constant 0 : i32
    %dma_start3A_5 = arith.constant 0 : i32
    %dma_start3A_6 = tpu.memref_slice %arg4[%dma_start3A, %dma_start3A_5] : memref<8192x768xf32, #tpu.memory_space<hbm>> -> memref<8192x768xf32, #tpu.memory_space<hbm>>
    tpu.enqueue_indirect_dma source(%arg5 : memref<64x768xf32, #tpu.memory_space<vmem>>) target(%dma_start3A_6 : memref<8192x768xf32, #tpu.memory_space<hbm>>) offsets(%arg6 : memref<64xi32, #tpu.memory_space<vmem>>) semaphore(%arg8 : memref<!tpu.dma_semaphore, #tpu.memory_space<semaphore_mem>>)
    %dma_start3A_7 = arith.constant 0 : i32
    %dma_start3A_8 = arith.constant 0 : i32
    %dma_start3A_9 = tpu.memref_slice %arg4[%dma_start3A_7, %dma_start3A_8] : memref<8192x768xf32, #tpu.memory_space<hbm>> -> memref<8192x768xf32, #tpu.memory_space<hbm>>
    tpu.enqueue_indirect_dma source(%arg5 : memref<64x768xf32, #tpu.memory_space<vmem>>) target(%dma_start3A_9 : memref<8192x768xf32, #tpu.memory_space<hbm>>) offsets(%arg7 : memref<64xi32, #tpu.memory_space<vmem>>) semaphore(%arg8 : memref<!tpu.dma_semaphore, #tpu.memory_space<semaphore_mem>>)
    %dma_wait3A = arith.constant 0 : i32
    %dma_wait3A_10 = arith.constant 0 : i32
    %dma_wait3A_11 = tpu.memref_slice %arg4[%dma_wait3A, %dma_wait3A_10] : memref<8192x768xf32, #tpu.memory_space<hbm>> -> memref<8192x768xf32, #tpu.memory_space<hbm>>
    tpu.wait_indirect_dma semaphore(%arg8 : memref<!tpu.dma_semaphore, #tpu.memory_space<semaphore_mem>>) src(%arg5 : memref<64x768xf32, #tpu.memory_space<vmem>>) dst(%dma_wait3A_11 : memref<8192x768xf32, #tpu.memory_space<hbm>>)
    %dma_wait3A_12 = arith.constant 0 : i32
    %dma_wait3A_13 = arith.constant 0 : i32
    %dma_wait3A_14 = tpu.memref_slice %arg4[%dma_wait3A_12, %dma_wait3A_13] : memref<8192x768xf32, #tpu.memory_space<hbm>> -> memref<8192x768xf32, #tpu.memory_space<hbm>>
    tpu.wait_indirect_dma semaphore(%arg8 : memref<!tpu.dma_semaphore, #tpu.memory_space<semaphore_mem>>) src(%arg5 : memref<64x768xf32, #tpu.memory_space<vmem>>) dst(%dma_wait3A_14 : memref<8192x768xf32, #tpu.memory_space<hbm>>)
    return
  }
}

module attributes {stable_mosaic.version = 14 : i64} {
  func.func @_router_body(%arg0: memref<2048x768xf32, #tpu.memory_space<vmem>>, %arg1: memref<64x768xf32, #tpu.memory_space<vmem>>, %arg2: memref<2048x2xf32, #tpu.memory_space<vmem>>, %arg3: memref<4096x1xi32, #tpu.memory_space<vmem>>, %arg4: memref<128x1xi32, #tpu.memory_space<vmem>>, %arg5: memref<128x1xi32, #tpu.memory_space<vmem>>, %arg6: memref<1x1xi32, #tpu.memory_space<vmem>>, %arg7: memref<4096x1xi32, #tpu.memory_space<vmem>>, %arg8: memref<4096x1xf32, #tpu.memory_space<vmem>>) attributes {dimension_semantics = [], scalar_prefetch = 0 : i64, scratch_operands = 2 : i64, tpu.core_type = #tpu.core_type<tc>} {
    %get3A = arith.constant 0 : index
    %get3A_0 = arith.constant 0 : index
    %get3A_1 = vector.load %arg0[%get3A, %get3A_0] : memref<2048x768xf32, #tpu.memory_space<vmem>>, vector<2048x768xf32>
    %get3A_2 = arith.constant 0 : index
    %get3A_3 = arith.constant 0 : index
    %get3A_4 = vector.load %arg1[%get3A_2, %get3A_3] : memref<64x768xf32, #tpu.memory_space<vmem>>, vector<64x768xf32>
    %dot_general3A = arith.constant dense<0.000000e+00> : vector<2048x64xf32>
    %dot_general3A_5 = tpu.matmul %get3A_1, %get3A_4, %dot_general3A {dimension_numbers = #tpu.dot_dimension_numbers<[1], [1], [0], [0], [0, 0, 1, 0], [], []>, transpose_lhs_hint = false} : vector<2048x768xf32>, vector<64x768xf32>, vector<2048x64xf32> -> vector<2048x64xf32>
    %iota3A = tpu.iota {dimensions = array<i32: 1>} : vector<2048x64xi32>
    %reduce_max3A = arith.constant dense<0xFF800000> : vector<2048xf32>
    %reduce_max3A_6 = vector.multi_reduction <maximumf>, %dot_general3A_5, %reduce_max3A [1] : vector<2048x64xf32> to vector<2048xf32>
    %broadcast_in_dim3A = vector.shape_cast %reduce_max3A_6 : vector<2048xf32> to vector<2048x1xf32>
    %eq3A = vector.broadcast %broadcast_in_dim3A : vector<2048x1xf32> to vector<2048x64xf32>
    %eq3A_7 = arith.cmpf oeq, %dot_general3A_5, %eq3A : vector<2048x64xf32>
    %jit3A = arith.constant 64 : i32
    %broadcast_in_dim3A_8 = vector.broadcast %jit3A : i32 to vector<2048x64xi32>
    %select_n3A = arith.select %eq3A_7, %iota3A, %broadcast_in_dim3A_8 : vector<2048x64xi1>, vector<2048x64xi32>
    %reduce_min3A = arith.constant dense<2147483647> : vector<2048xi32>
    %reduce_min3A_9 = vector.multi_reduction <minsi>, %select_n3A, %reduce_min3A [1] : vector<2048x64xi32> to vector<2048xi32>
    %broadcast_in_dim3A_10 = vector.shape_cast %reduce_min3A_9 : vector<2048xi32> to vector<2048x1xi32>
    %eq3A_11 = vector.broadcast %broadcast_in_dim3A_10 : vector<2048x1xi32> to vector<2048x64xi32>
    %eq3A_12 = arith.cmpi eq, %iota3A, %eq3A_11 : vector<2048x64xi32>
    %jit3A_13 = arith.constant 0xFF800000 : f32
    %broadcast_in_dim3A_14 = vector.broadcast %jit3A_13 : f32 to vector<2048x64xf32>
    %select_n3A_15 = arith.select %eq3A_12, %broadcast_in_dim3A_14, %dot_general3A_5 : vector<2048x64xi1>, vector<2048x64xf32>
    %reduce_max3A_16 = arith.constant dense<0xFF800000> : vector<2048xf32>
    %reduce_max3A_17 = vector.multi_reduction <maximumf>, %select_n3A_15, %reduce_max3A_16 [1] : vector<2048x64xf32> to vector<2048xf32>
    %broadcast_in_dim3A_18 = vector.shape_cast %reduce_max3A_17 : vector<2048xf32> to vector<2048x1xf32>
    %eq3A_19 = vector.broadcast %broadcast_in_dim3A_18 : vector<2048x1xf32> to vector<2048x64xf32>
    %eq3A_20 = arith.cmpf oeq, %select_n3A_15, %eq3A_19 : vector<2048x64xf32>
    %jit3A_21 = arith.constant 64 : i32
    %broadcast_in_dim3A_22 = vector.broadcast %jit3A_21 : i32 to vector<2048x64xi32>
    %select_n3A_23 = arith.select %eq3A_20, %iota3A, %broadcast_in_dim3A_22 : vector<2048x64xi1>, vector<2048x64xi32>
    %reduce_min3A_24 = arith.constant dense<2147483647> : vector<2048xi32>
    %reduce_min3A_25 = vector.multi_reduction <minsi>, %select_n3A_23, %reduce_min3A_24 [1] : vector<2048x64xi32> to vector<2048xi32>
    %broadcast_in_dim3A_26 = vector.shape_cast %reduce_min3A_25 : vector<2048xi32> to vector<2048x1xi32>
    %logistic3A = arith.negf %broadcast_in_dim3A : vector<2048x1xf32>
    %logistic3A_27 = math.exp %logistic3A : vector<2048x1xf32>
    %logistic3A_28 = arith.constant 1.000000e+00 : f32
    %logistic3A_29 = vector.broadcast %logistic3A_28 : f32 to vector<2048x1xf32>
    %logistic3A_30 = arith.addf %logistic3A_29, %logistic3A_27 : vector<2048x1xf32>
    %logistic3A_31 = arith.divf %logistic3A_29, %logistic3A_30 : vector<2048x1xf32>
    %logistic3A_32 = arith.negf %broadcast_in_dim3A_18 : vector<2048x1xf32>
    %logistic3A_33 = math.exp %logistic3A_32 : vector<2048x1xf32>
    %logistic3A_34 = arith.constant 1.000000e+00 : f32
    %logistic3A_35 = vector.broadcast %logistic3A_34 : f32 to vector<2048x1xf32>
    %logistic3A_36 = arith.addf %logistic3A_35, %logistic3A_33 : vector<2048x1xf32>
    %logistic3A_37 = arith.divf %logistic3A_35, %logistic3A_36 : vector<2048x1xf32>
    %add3A = arith.addf %logistic3A_31, %logistic3A_37 : vector<2048x1xf32>
    %add3A_38 = arith.constant 1.000000e-10 : f32
    %add3A_39 = vector.broadcast %add3A_38 : f32 to vector<2048x1xf32>
    %add3A_40 = arith.addf %add3A, %add3A_39 : vector<2048x1xf32>
    %div3A = arith.divf %logistic3A_31, %add3A_40 : vector<2048x1xf32>
    %swap3A = arith.constant 0 : index
    %swap3A_41 = arith.constant 0 : index
    %swap3A_42 = vector.load %arg2[%swap3A, %swap3A_41] : memref<2048x2xf32, #tpu.memory_space<vmem>>, vector<2048x1xf32>
    tpu.vector_store %arg2[%swap3A, %swap3A_41], %div3A {strides = array<i32>} : memref<2048x2xf32, #tpu.memory_space<vmem>>, vector<2048x1xf32>,
    %div3A_43 = arith.divf %logistic3A_37, %add3A_40 : vector<2048x1xf32>
    %swap3A_44 = arith.constant 0 : index
    %swap3A_45 = arith.constant 1 : index
    %swap3A_46 = vector.load %arg2[%swap3A_44, %swap3A_45] : memref<2048x2xf32, #tpu.memory_space<vmem>>, vector<2048x1xf32>
    tpu.vector_store %arg2[%swap3A_44, %swap3A_45], %div3A_43 {strides = array<i32>} : memref<2048x2xf32, #tpu.memory_space<vmem>>, vector<2048x1xf32>,
    %swap3A_47 = arith.constant 0 : index
    %swap3A_48 = arith.constant 0 : index
    %swap3A_49 = vector.load %arg7[%swap3A_47, %swap3A_48] : memref<4096x1xi32, #tpu.memory_space<vmem>>, vector<2048x1xi32>
    tpu.vector_store %arg7[%swap3A_47, %swap3A_48], %broadcast_in_dim3A_10 {strides = array<i32>} : memref<4096x1xi32, #tpu.memory_space<vmem>>, vector<2048x1xi32>,
    %swap3A_50 = arith.constant 2048 : index
    %swap3A_51 = arith.constant 0 : index
    %swap3A_52 = vector.load %arg7[%swap3A_50, %swap3A_51] : memref<4096x1xi32, #tpu.memory_space<vmem>>, vector<2048x1xi32>
    tpu.vector_store %arg7[%swap3A_50, %swap3A_51], %broadcast_in_dim3A_26 {strides = array<i32>} : memref<4096x1xi32, #tpu.memory_space<vmem>>, vector<2048x1xi32>,
    %iota3A_53 = tpu.iota {dimensions = array<i32: 0>} : vector<256x256xi32>
    %iota3A_54 = tpu.iota {dimensions = array<i32: 1>} : vector<256x256xi32>
    %gt3A = arith.cmpi sgt, %iota3A_53, %iota3A_54 : vector<256x256xi32>
    %jit3A_55 = arith.constant 1.000000e+00 : f32
    %jit3A_56 = arith.constant 0.000000e+00 : f32
    %broadcast_in_dim3A_57 = vector.broadcast %jit3A_55 : f32 to vector<256x256xf32>
    %broadcast_in_dim3A_58 = vector.broadcast %jit3A_56 : f32 to vector<256x256xf32>
    %select_n3A_59 = arith.select %gt3A, %broadcast_in_dim3A_57, %broadcast_in_dim3A_58 : vector<256x256xi1>, vector<256x256xf32>
    %iota3A_60 = tpu.iota {dimensions = array<i32: 1>} : vector<256x64xi32>
    %broadcast_in_dim3A_61 = arith.constant 0.000000e+00 : f32
    %broadcast_in_dim3A_62 = vector.broadcast %broadcast_in_dim3A_61 : f32 to vector<1x64xf32>
    %scan3A = arith.constant 0 : i32
    %scan3A_63 = arith.constant 16 : i32
    %scan3A_64 = arith.addi %scan3A, %scan3A_63 : i32
    %scan3A_65 = arith.constant 1 : i32
    %scan3A_66 = scf.for %scan3A_192 = %scan3A to %scan3A_64 step %scan3A_65 iter_args(%scan3A_193 = %broadcast_in_dim3A_62) -> (vector<1x64xf32>)  : i32 {
      %mul3A_194 = arith.constant 256 : i32
      %mul3A_195 = arith.muli %scan3A_192, %mul3A_194 : i32
      %get3A_196 = arith.index_cast %mul3A_195 : i32 to index
      %get3A_197 = arith.constant 0 : index
      %get3A_198 = vector.load %arg7[%get3A_196, %get3A_197] : memref<4096x1xi32, #tpu.memory_space<vmem>>, vector<256x1xi32>
      %eq3A_199 = vector.broadcast %get3A_198 : vector<256x1xi32> to vector<256x64xi32>
      %eq3A_200 = arith.cmpi eq, %eq3A_199, %iota3A_60 : vector<256x64xi32>
      %jit3A_201 = arith.constant 1.000000e+00 : f32
      %jit3A_202 = arith.constant 0.000000e+00 : f32
      %broadcast_in_dim3A_203 = vector.broadcast %jit3A_201 : f32 to vector<256x64xf32>
      %broadcast_in_dim3A_204 = vector.broadcast %jit3A_202 : f32 to vector<256x64xf32>
      %select_n3A_205 = arith.select %eq3A_200, %broadcast_in_dim3A_203, %broadcast_in_dim3A_204 : vector<256x64xi1>, vector<256x64xf32>
      %dot_general3A_206 = arith.constant dense<0.000000e+00> : vector<256x64xf32>
      %dot_general3A_207 = tpu.matmul %select_n3A_59, %select_n3A_205, %dot_general3A_206 {dimension_numbers = #tpu.dot_dimension_numbers<[1], [0], [0], [1], [0, 0, 1, 1], [], []>, precision = #tpu.contract_precision<fp32>, transpose_lhs_hint = false} : vector<256x256xf32>, vector<256x64xf32>, vector<256x64xf32> -> vector<256x64xf32>
      %add3A_208 = vector.broadcast %scan3A_193 : vector<1x64xf32> to vector<256x64xf32>
      %add3A_209 = arith.addf %dot_general3A_207, %add3A_208 : vector<256x64xf32>
      %mul3A_210 = arith.mulf %add3A_209, %select_n3A_205 : vector<256x64xf32>
      %reduce_sum3A_211 = arith.constant dense<0.000000e+00> : vector<256xf32>
      %reduce_sum3A_212 = vector.multi_reduction <add>, %mul3A_210, %reduce_sum3A_211 [1] : vector<256x64xf32> to vector<256xf32>
      %broadcast_in_dim3A_213 = vector.shape_cast %reduce_sum3A_212 : vector<256xf32> to vector<256x1xf32>
      %mul3A_214 = arith.constant 256 : i32
      %mul3A_215 = arith.muli %scan3A_192, %mul3A_214 : i32
      %swap3A_216 = arith.index_cast %mul3A_215 : i32 to index
      %swap3A_217 = arith.constant 0 : index
      %swap3A_218 = vector.load %arg8[%swap3A_216, %swap3A_217] : memref<4096x1xf32, #tpu.memory_space<vmem>>, vector<256x1xf32>
      tpu.vector_store %arg8[%swap3A_216, %swap3A_217], %broadcast_in_dim3A_213 {strides = array<i32>} : memref<4096x1xf32, #tpu.memory_space<vmem>>, vector<256x1xf32>,
      %reduce_sum3A_219 = arith.constant dense<0.000000e+00> : vector<64xf32>
      %reduce_sum3A_220 = vector.multi_reduction <add>, %select_n3A_205, %reduce_sum3A_219 [0] : vector<256x64xf32> to vector<64xf32>
      %broadcast_in_dim3A_221 = vector.shape_cast %reduce_sum3A_220 : vector<64xf32> to vector<1x64xf32>
      %add3A_222 = arith.addf %scan3A_193, %broadcast_in_dim3A_221 : vector<1x64xf32>
      scf.yield %add3A_222 : vector<1x64xf32>
    }
    %scan3A_67 = arith.constant 16 : i32
    %convert_element_type3A = arith.fptosi %scan3A_66 : vector<1x64xf32> to vector<1x64xi32>
    %add3A_68 = arith.constant 63 : i32
    %add3A_69 = vector.broadcast %add3A_68 : i32 to vector<1x64xi32>
    %add3A_70 = arith.addi %convert_element_type3A, %add3A_69 : vector<1x64xi32>
    %jit3A_71 = arith.constant 64 : i32
    %div3A_72 = vector.broadcast %jit3A_71 : i32 to vector<1x64xi32>
    %div3A_73 = arith.divsi %add3A_70, %div3A_72 : vector<1x64xi32>
    %sign3A = arith.constant 0 : i32
    %sign3A_74 = vector.broadcast %sign3A : i32 to vector<1x64xi32>
    %sign3A_75 = arith.cmpi sgt, %add3A_70, %sign3A_74 : vector<1x64xi32>
    %sign3A_76 = arith.extui %sign3A_75 : vector<1x64xi1> to vector<1x64xi32>
    %sign3A_77 = arith.constant 0 : i32
    %sign3A_78 = vector.broadcast %sign3A_77 : i32 to vector<1x64xi32>
    %sign3A_79 = arith.cmpi slt, %add3A_70, %sign3A_78 : vector<1x64xi32>
    %sign3A_80 = arith.extui %sign3A_79 : vector<1x64xi1> to vector<1x64xi32>
    %sign3A_81 = arith.subi %sign3A_76, %sign3A_80 : vector<1x64xi32>
    %sign3A_82 = arith.constant 0 : i32
    %sign3A_83 = arith.cmpi sgt, %jit3A_71, %sign3A_82 : i32
    %sign3A_84 = arith.extui %sign3A_83 : i1 to i32
    %sign3A_85 = arith.constant 0 : i32
    %sign3A_86 = arith.cmpi slt, %jit3A_71, %sign3A_85 : i32
    %sign3A_87 = arith.extui %sign3A_86 : i1 to i32
    %sign3A_88 = arith.subi %sign3A_84, %sign3A_87 : i32
    %ne3A = vector.broadcast %sign3A_88 : i32 to vector<1x64xi32>
    %ne3A_89 = arith.cmpi ne, %sign3A_81, %ne3A : vector<1x64xi32>
    %rem3A = vector.broadcast %jit3A_71 : i32 to vector<1x64xi32>
    %rem3A_90 = arith.remsi %add3A_70, %rem3A : vector<1x64xi32>
    %ne3A_91 = arith.constant 0 : i32
    %ne3A_92 = vector.broadcast %ne3A_91 : i32 to vector<1x64xi32>
    %ne3A_93 = arith.cmpi ne, %rem3A_90, %ne3A_92 : vector<1x64xi32>
    %and3A = arith.andi %ne3A_89, %ne3A_93 : vector<1x64xi1>
    %sub3A = arith.constant 1 : i32
    %sub3A_94 = vector.broadcast %sub3A : i32 to vector<1x64xi32>
    %sub3A_95 = arith.subi %div3A_73, %sub3A_94 : vector<1x64xi32>
    %select_n3A_96 = arith.select %and3A, %sub3A_95, %div3A_73 : vector<1x64xi1>, vector<1x64xi32>
    %mul3A = arith.constant 64 : i32
    %mul3A_97 = vector.broadcast %mul3A : i32 to vector<1x64xi32>
    %mul3A_98 = arith.muli %select_n3A_96, %mul3A_97 : vector<1x64xi32>
    %convert_element_type3A_99 = arith.sitofp %mul3A_98 : vector<1x64xi32> to vector<1x64xf32>
    %iota3A_100 = tpu.iota {dimensions = array<i32: 0>} : vector<64x64xi32>
    %iota3A_101 = tpu.iota {dimensions = array<i32: 1>} : vector<64x64xi32>
    %lt3A = arith.cmpi slt, %iota3A_100, %iota3A_101 : vector<64x64xi32>
    %jit3A_102 = arith.constant 1.000000e+00 : f32
    %jit3A_103 = arith.constant 0.000000e+00 : f32
    %broadcast_in_dim3A_104 = vector.broadcast %jit3A_102 : f32 to vector<64x64xf32>
    %broadcast_in_dim3A_105 = vector.broadcast %jit3A_103 : f32 to vector<64x64xf32>
    %select_n3A_106 = arith.select %lt3A, %broadcast_in_dim3A_104, %broadcast_in_dim3A_105 : vector<64x64xi1>, vector<64x64xf32>
    %dot_general3A_107 = arith.constant dense<0.000000e+00> : vector<1x64xf32>
    %dot_general3A_108 = tpu.matmul %convert_element_type3A_99, %select_n3A_106, %dot_general3A_107 {dimension_numbers = #tpu.dot_dimension_numbers<[1], [0], [0], [1], [0, 0, 1, 1], [], []>, precision = #tpu.contract_precision<fp32>, transpose_lhs_hint = false} : vector<1x64xf32>, vector<64x64xf32>, vector<1x64xf32> -> vector<1x64xf32>
    %add3A_109 = arith.addf %dot_general3A_108, %convert_element_type3A_99 : vector<1x64xf32>
    %scan3A_110 = arith.constant 0 : i32
    %scan3A_111 = arith.constant 16 : i32
    %scan3A_112 = arith.addi %scan3A_110, %scan3A_111 : i32
    %scan3A_113 = arith.constant 1 : i32
    scf.for %scan3A_192 = %scan3A_110 to %scan3A_112 step %scan3A_113  : i32 {
      %mul3A_193 = arith.constant 256 : i32
      %mul3A_194 = arith.muli %scan3A_192, %mul3A_193 : i32
      %get3A_195 = arith.index_cast %mul3A_194 : i32 to index
      %get3A_196 = arith.constant 0 : index
      %get3A_197 = vector.load %arg7[%get3A_195, %get3A_196] : memref<4096x1xi32, #tpu.memory_space<vmem>>, vector<256x1xi32>
      %eq3A_198 = vector.broadcast %get3A_197 : vector<256x1xi32> to vector<256x64xi32>
      %eq3A_199 = arith.cmpi eq, %eq3A_198, %iota3A_60 : vector<256x64xi32>
      %jit3A_200 = arith.constant 1.000000e+00 : f32
      %jit3A_201 = arith.constant 0.000000e+00 : f32
      %broadcast_in_dim3A_202 = vector.broadcast %jit3A_200 : f32 to vector<256x64xf32>
      %broadcast_in_dim3A_203 = vector.broadcast %jit3A_201 : f32 to vector<256x64xf32>
      %select_n3A_204 = arith.select %eq3A_199, %broadcast_in_dim3A_202, %broadcast_in_dim3A_203 : vector<256x64xi1>, vector<256x64xf32>
      %mul3A_205 = arith.constant 256 : i32
      %mul3A_206 = arith.muli %scan3A_192, %mul3A_205 : i32
      %get3A_207 = arith.index_cast %mul3A_206 : i32 to index
      %get3A_208 = arith.constant 0 : index
      %get3A_209 = vector.load %arg8[%get3A_207, %get3A_208] : memref<4096x1xf32, #tpu.memory_space<vmem>>, vector<256x1xf32>
      %mul3A_210 = vector.broadcast %dot_general3A_108 : vector<1x64xf32> to vector<256x64xf32>
      %mul3A_211 = arith.mulf %select_n3A_204, %mul3A_210 : vector<256x64xf32>
      %reduce_sum3A_212 = arith.constant dense<0.000000e+00> : vector<256xf32>
      %reduce_sum3A_213 = vector.multi_reduction <add>, %mul3A_211, %reduce_sum3A_212 [1] : vector<256x64xf32> to vector<256xf32>
      %broadcast_in_dim3A_214 = vector.shape_cast %reduce_sum3A_213 : vector<256xf32> to vector<256x1xf32>
      %add3A_215 = arith.addf %get3A_209, %broadcast_in_dim3A_214 : vector<256x1xf32>
      %convert_element_type3A_216 = arith.fptosi %add3A_215 : vector<256x1xf32> to vector<256x1xi32>
      %mul3A_217 = arith.constant 256 : i32
      %mul3A_218 = arith.muli %scan3A_192, %mul3A_217 : i32
      %swap3A_219 = arith.index_cast %mul3A_218 : i32 to index
      %swap3A_220 = arith.constant 0 : index
      %swap3A_221 = vector.load %arg3[%swap3A_219, %swap3A_220] : memref<4096x1xi32, #tpu.memory_space<vmem>>, vector<256x1xi32>
      tpu.vector_store %arg3[%swap3A_219, %swap3A_220], %convert_element_type3A_216 {strides = array<i32>} : memref<4096x1xi32, #tpu.memory_space<vmem>>, vector<256x1xi32>,
    }
    %scan3A_114 = arith.constant 16 : i32
    %reduce_sum3A = vector.shape_cast %mul3A_98 : vector<1x64xi32> to vector<1x1x64xi32>
    %reduce_sum3A_115 = arith.constant dense<0> : vector<1xi32>
    %reduce_sum3A_116 = vector.multi_reduction <add>, %reduce_sum3A, %reduce_sum3A_115 [1, 2] : vector<1x1x64xi32> to vector<1xi32>
    %reduce_sum3A_117 = vector.shape_cast %reduce_sum3A_116 : vector<1xi32> to vector<1x1x1xi32>
    %reduce_sum3A_118 = vector.extract %reduce_sum3A_117[0, 0, 0] : i32 from vector<1x1x1xi32>
    %jit3A_119 = arith.constant 64 : i32
    %div3A_120 = arith.divsi %reduce_sum3A_118, %jit3A_119 : i32
    %sign3A_121 = arith.constant 0 : i32
    %sign3A_122 = arith.cmpi sgt, %reduce_sum3A_118, %sign3A_121 : i32
    %sign3A_123 = arith.extui %sign3A_122 : i1 to i32
    %sign3A_124 = arith.constant 0 : i32
    %sign3A_125 = arith.cmpi slt, %reduce_sum3A_118, %sign3A_124 : i32
    %sign3A_126 = arith.extui %sign3A_125 : i1 to i32
    %sign3A_127 = arith.subi %sign3A_123, %sign3A_126 : i32
    %sign3A_128 = arith.constant 0 : i32
    %sign3A_129 = arith.cmpi sgt, %jit3A_119, %sign3A_128 : i32
    %sign3A_130 = arith.extui %sign3A_129 : i1 to i32
    %sign3A_131 = arith.constant 0 : i32
    %sign3A_132 = arith.cmpi slt, %jit3A_119, %sign3A_131 : i32
    %sign3A_133 = arith.extui %sign3A_132 : i1 to i32
    %sign3A_134 = arith.subi %sign3A_130, %sign3A_133 : i32
    %ne3A_135 = arith.cmpi ne, %sign3A_127, %sign3A_134 : i32
    %rem3A_136 = arith.remsi %reduce_sum3A_118, %jit3A_119 : i32
    %ne3A_137 = arith.constant 0 : i32
    %ne3A_138 = arith.cmpi ne, %rem3A_136, %ne3A_137 : i32
    %and3A_139 = arith.andi %ne3A_135, %ne3A_138 : i1
    %sub3A_140 = arith.constant 1 : i32
    %sub3A_141 = arith.subi %div3A_120, %sub3A_140 : i32
    %select_n3A_142 = arith.select %and3A_139, %sub3A_141, %div3A_120 : i32
    %iota3A_143 = tpu.iota {dimensions = array<i32: 0>} : vector<128x1xi32>
    %mul3A_144 = arith.constant 64 : i32
    %mul3A_145 = vector.broadcast %mul3A_144 : i32 to vector<128x1xi32>
    %mul3A_146 = arith.muli %iota3A_143, %mul3A_145 : vector<128x1xi32>
    %convert_element_type3A_147 = arith.sitofp %mul3A_146 : vector<128x1xi32> to vector<128x1xf32>
    %le3A = vector.broadcast %add3A_109 : vector<1x64xf32> to vector<128x64xf32>
    %le3A_148 = vector.broadcast %convert_element_type3A_147 : vector<128x1xf32> to vector<128x64xf32>
    %le3A_149 = arith.cmpf ole, %le3A, %le3A_148 : vector<128x64xf32>
    %jit3A_150 = arith.constant 1.000000e+00 : f32
    %jit3A_151 = arith.constant 0.000000e+00 : f32
    %broadcast_in_dim3A_152 = vector.broadcast %jit3A_150 : f32 to vector<128x64xf32>
    %broadcast_in_dim3A_153 = vector.broadcast %jit3A_151 : f32 to vector<128x64xf32>
    %select_n3A_154 = arith.select %le3A_149, %broadcast_in_dim3A_152, %broadcast_in_dim3A_153 : vector<128x64xi1>, vector<128x64xf32>
    %reduce_sum3A_155 = arith.constant dense<0.000000e+00> : vector<128xf32>
    %reduce_sum3A_156 = vector.multi_reduction <add>, %select_n3A_154, %reduce_sum3A_155 [1] : vector<128x64xf32> to vector<128xf32>
    %broadcast_in_dim3A_157 = vector.shape_cast %reduce_sum3A_156 : vector<128xf32> to vector<128x1xf32>
    %convert_element_type3A_158 = arith.fptosi %broadcast_in_dim3A_157 : vector<128x1xf32> to vector<128x1xi32>
    %min3A = arith.constant 63 : i32
    %min3A_159 = vector.broadcast %min3A : i32 to vector<128x1xi32>
    %min3A_160 = arith.minsi %convert_element_type3A_158, %min3A_159 : vector<128x1xi32>
    %sub3A_161 = arith.constant 1 : i32
    %sub3A_162 = arith.subi %select_n3A_142, %sub3A_161 : i32
    %eq3A_163 = vector.broadcast %sub3A_162 : i32 to vector<128x1xi32>
    %eq3A_164 = arith.cmpi eq, %iota3A_143, %eq3A_163 : vector<128x1xi32>
    %jit3A_165 = arith.constant 0 : i32
    %broadcast_in_dim3A_166 = vector.broadcast %jit3A_165 : i32 to vector<128x1xi32>
    %select_n3A_167 = arith.select %eq3A_164, %min3A_160, %broadcast_in_dim3A_166 : vector<128x1xi1>, vector<128x1xi32>
    %reduce_sum3A_168 = vector.shape_cast %select_n3A_167 : vector<128x1xi32> to vector<1x128x1xi32>
    %reduce_sum3A_169 = arith.constant dense<0> : vector<1xi32>
    %reduce_sum3A_170 = vector.multi_reduction <add>, %reduce_sum3A_168, %reduce_sum3A_169 [1, 2] : vector<1x128x1xi32> to vector<1xi32>
    %reduce_sum3A_171 = vector.shape_cast %reduce_sum3A_170 : vector<1xi32> to vector<1x1x1xi32>
    %reduce_sum3A_172 = vector.extract %reduce_sum3A_171[0, 0, 0] : i32 from vector<1x1x1xi32>
    %lt3A_173 = vector.broadcast %select_n3A_142 : i32 to vector<128x1xi32>
    %lt3A_174 = arith.cmpi slt, %iota3A_143, %lt3A_173 : vector<128x1xi32>
    %broadcast_in_dim3A_175 = vector.broadcast %reduce_sum3A_172 : i32 to vector<128x1xi32>
    %select_n3A_176 = arith.select %lt3A_174, %min3A_160, %broadcast_in_dim3A_175 : vector<128x1xi1>, vector<128x1xi32>
    %swap3A_177 = arith.constant 0 : index
    %swap3A_178 = arith.constant 0 : index
    %swap3A_179 = vector.load %arg4[%swap3A_177, %swap3A_178] : memref<128x1xi32, #tpu.memory_space<vmem>>, vector<128x1xi32>
    tpu.vector_store %arg4[%swap3A_177, %swap3A_178], %select_n3A_176 {strides = array<i32>} : memref<128x1xi32, #tpu.memory_space<vmem>>, vector<128x1xi32>,
    %lt3A_180 = vector.broadcast %select_n3A_142 : i32 to vector<128x1xi32>
    %lt3A_181 = arith.cmpi slt, %iota3A_143, %lt3A_180 : vector<128x1xi32>
    %sub3A_182 = arith.constant 1 : i32
    %sub3A_183 = arith.subi %select_n3A_142, %sub3A_182 : i32
    %broadcast_in_dim3A_184 = vector.broadcast %sub3A_183 : i32 to vector<128x1xi32>
    %select_n3A_185 = arith.select %lt3A_181, %iota3A_143, %broadcast_in_dim3A_184 : vector<128x1xi1>, vector<128x1xi32>
    %swap3A_186 = arith.constant 0 : index
    %swap3A_187 = arith.constant 0 : index
    %swap3A_188 = vector.load %arg5[%swap3A_186, %swap3A_187] : memref<128x1xi32, #tpu.memory_space<vmem>>, vector<128x1xi32>
    tpu.vector_store %arg5[%swap3A_186, %swap3A_187], %select_n3A_185 {strides = array<i32>} : memref<128x1xi32, #tpu.memory_space<vmem>>, vector<128x1xi32>,
    %reshape3A = vector.broadcast %select_n3A_142 : i32 to vector<1x1xi32>
    %swap3A_189 = arith.constant 0 : index
    %swap3A_190 = arith.constant 0 : index
    %swap3A_191 = vector.load %arg6[%swap3A_189, %swap3A_190] : memref<1x1xi32, #tpu.memory_space<vmem>>, vector<1x1xi32>
    tpu.vector_store %arg6[%swap3A_189, %swap3A_190], %reshape3A {strides = array<i32>} : memref<1x1xi32, #tpu.memory_space<vmem>>, vector<1x1xi32>,
    return
  }
}

module attributes {stable_mosaic.version = 14 : i64} {
  func.func @_gemm_body(%arg0: i32, %arg1: memref<128xi32, #tpu.memory_space<smem>>, %arg2: memref<128xi32, #tpu.memory_space<smem>>, %arg3: memref<1xi32, #tpu.memory_space<smem>>, %arg4: memref<64x768xf32, #tpu.memory_space<vmem>>, %arg5: memref<1x256x768xf32, #tpu.memory_space<vmem>>, %arg6: memref<1x1x256xf32, #tpu.memory_space<vmem>>, %arg7: memref<1x256x768xf32, #tpu.memory_space<vmem>>, %arg8: memref<1x1x256xf32, #tpu.memory_space<vmem>>, %arg9: memref<1x768x256xf32, #tpu.memory_space<vmem>>, %arg10: memref<1x1x768xf32, #tpu.memory_space<vmem>>, %arg11: memref<64x768xf32, #tpu.memory_space<vmem>>) attributes {dimension_semantics = [#tpu.dimension_semantics<arbitrary>], iteration_bounds = array<i64: 128>, scalar_prefetch = 3 : i64, scratch_operands = 0 : i64, tpu.core_type = #tpu.core_type<tc>, window_params = [{transform_indices = @transform_0, window_bounds = array<i64: 64, 768>}, {transform_indices = @transform_1, window_bounds = array<i64: 1, 256, 768>}, {transform_indices = @transform_2, window_bounds = array<i64: 1, 1, 256>}, {transform_indices = @transform_3, window_bounds = array<i64: 1, 256, 768>}, {transform_indices = @transform_4, window_bounds = array<i64: 1, 1, 256>}, {transform_indices = @transform_5, window_bounds = array<i64: 1, 768, 256>}, {transform_indices = @transform_6, window_bounds = array<i64: 1, 1, 768>}, {transform_indices = @transform_7, window_bounds = array<i64: 64, 768>}]} {
    %get3A = arith.constant 0 : index
    %get3A_0 = memref.load %arg3[%get3A] : memref<1xi32, #tpu.memory_space<smem>>
    %lt3A = arith.cmpi slt, %arg0, %get3A_0 : i32
    %convert_element_type3A = arith.extui %lt3A : i1 to i32
    %cond3A = arith.constant 0 : i32
    %cond3A_1 = arith.cmpi ne, %convert_element_type3A, %cond3A : i32
    scf.if %cond3A_1 {
      %get3A_2 = arith.constant 0 : index
      %get3A_3 = arith.constant 0 : index
      %get3A_4 = vector.load %arg4[%get3A_2, %get3A_3] : memref<64x768xf32, #tpu.memory_space<vmem>>, vector<64x768xf32>
      %convert_element_type3A_5 = arith.truncf %get3A_4 : vector<64x768xf32> to vector<64x768xbf16>
      %get3A_6 = arith.constant 0 : index
      %get3A_7 = arith.constant 0 : index
      %get3A_8 = arith.constant 0 : index
      %get3A_9 = vector.load %arg5[%get3A_6, %get3A_7, %get3A_8] : memref<1x256x768xf32, #tpu.memory_space<vmem>>, vector<1x256x768xf32>
      %get3A_10 = vector.shape_cast %get3A_9 : vector<1x256x768xf32> to vector<256x768xf32>
      %convert_element_type3A_11 = arith.truncf %get3A_10 : vector<256x768xf32> to vector<256x768xbf16>
      %dot_general3A = arith.constant dense<0.000000e+00> : vector<64x256xf32>
      %dot_general3A_12 = tpu.matmul %convert_element_type3A_5, %convert_element_type3A_11, %dot_general3A {dimension_numbers = #tpu.dot_dimension_numbers<[1], [1], [0], [0], [0, 0, 1, 0], [], []>, transpose_lhs_hint = false} : vector<64x768xbf16>, vector<256x768xbf16>, vector<64x256xf32> -> vector<64x256xf32>
      %get3A_13 = arith.constant 0 : index
      %get3A_14 = arith.constant 0 : index
      %get3A_15 = arith.constant 0 : index
      %get3A_16 = vector.load %arg6[%get3A_13, %get3A_14, %get3A_15] : memref<1x1x256xf32, #tpu.memory_space<vmem>>, vector<1x1x256xf32>
      %get3A_17 = vector.shape_cast %get3A_16 : vector<1x1x256xf32> to vector<1x256xf32>
      %add3A = vector.broadcast %get3A_17 : vector<1x256xf32> to vector<64x256xf32>
      %add3A_18 = arith.addf %dot_general3A_12, %add3A : vector<64x256xf32>
      %get3A_19 = arith.constant 0 : index
      %get3A_20 = arith.constant 0 : index
      %get3A_21 = arith.constant 0 : index
      %get3A_22 = vector.load %arg7[%get3A_19, %get3A_20, %get3A_21] : memref<1x256x768xf32, #tpu.memory_space<vmem>>, vector<1x256x768xf32>
      %get3A_23 = vector.shape_cast %get3A_22 : vector<1x256x768xf32> to vector<256x768xf32>
      %convert_element_type3A_24 = arith.truncf %get3A_23 : vector<256x768xf32> to vector<256x768xbf16>
      %dot_general3A_25 = arith.constant dense<0.000000e+00> : vector<64x256xf32>
      %dot_general3A_26 = tpu.matmul %convert_element_type3A_5, %convert_element_type3A_24, %dot_general3A_25 {dimension_numbers = #tpu.dot_dimension_numbers<[1], [1], [0], [0], [0, 0, 1, 0], [], []>, transpose_lhs_hint = false} : vector<64x768xbf16>, vector<256x768xbf16>, vector<64x256xf32> -> vector<64x256xf32>
      %get3A_27 = arith.constant 0 : index
      %get3A_28 = arith.constant 0 : index
      %get3A_29 = arith.constant 0 : index
      %get3A_30 = vector.load %arg8[%get3A_27, %get3A_28, %get3A_29] : memref<1x1x256xf32, #tpu.memory_space<vmem>>, vector<1x1x256xf32>
      %get3A_31 = vector.shape_cast %get3A_30 : vector<1x1x256xf32> to vector<1x256xf32>
      %add3A_32 = vector.broadcast %get3A_31 : vector<1x256xf32> to vector<64x256xf32>
      %add3A_33 = arith.addf %dot_general3A_26, %add3A_32 : vector<64x256xf32>
      %logistic3A = arith.negf %add3A_18 : vector<64x256xf32>
      %logistic3A_34 = math.exp %logistic3A : vector<64x256xf32>
      %logistic3A_35 = arith.constant 1.000000e+00 : f32
      %logistic3A_36 = vector.broadcast %logistic3A_35 : f32 to vector<64x256xf32>
      %logistic3A_37 = arith.addf %logistic3A_36, %logistic3A_34 : vector<64x256xf32>
      %logistic3A_38 = arith.divf %logistic3A_36, %logistic3A_37 : vector<64x256xf32>
      %mul3A = arith.mulf %add3A_18, %logistic3A_38 : vector<64x256xf32>
      %mul3A_39 = arith.mulf %mul3A, %add3A_33 : vector<64x256xf32>
      %convert_element_type3A_40 = arith.truncf %mul3A_39 : vector<64x256xf32> to vector<64x256xbf16>
      %get3A_41 = arith.constant 0 : index
      %get3A_42 = arith.constant 0 : index
      %get3A_43 = arith.constant 0 : index
      %get3A_44 = vector.load %arg9[%get3A_41, %get3A_42, %get3A_43] : memref<1x768x256xf32, #tpu.memory_space<vmem>>, vector<1x768x256xf32>
      %get3A_45 = vector.shape_cast %get3A_44 : vector<1x768x256xf32> to vector<768x256xf32>
      %convert_element_type3A_46 = arith.truncf %get3A_45 : vector<768x256xf32> to vector<768x256xbf16>
      %dot_general3A_47 = arith.constant dense<0.000000e+00> : vector<64x768xf32>
      %dot_general3A_48 = tpu.matmul %convert_element_type3A_40, %convert_element_type3A_46, %dot_general3A_47 {dimension_numbers = #tpu.dot_dimension_numbers<[1], [1], [0], [0], [0, 0, 1, 0], [], []>, transpose_lhs_hint = false} : vector<64x256xbf16>, vector<768x256xbf16>, vector<64x768xf32> -> vector<64x768xf32>
      %get3A_49 = arith.constant 0 : index
      %get3A_50 = arith.constant 0 : index
      %get3A_51 = arith.constant 0 : index
      %get3A_52 = vector.load %arg10[%get3A_49, %get3A_50, %get3A_51] : memref<1x1x768xf32, #tpu.memory_space<vmem>>, vector<1x1x768xf32>
      %get3A_53 = vector.shape_cast %get3A_52 : vector<1x1x768xf32> to vector<1x768xf32>
      %add3A_54 = vector.broadcast %get3A_53 : vector<1x768xf32> to vector<64x768xf32>
      %add3A_55 = arith.addf %dot_general3A_48, %add3A_54 : vector<64x768xf32>
      %swap3A = arith.constant 0 : index
      %swap3A_56 = arith.constant 0 : index
      %swap3A_57 = vector.load %arg11[%swap3A, %swap3A_56] : memref<64x768xf32, #tpu.memory_space<vmem>>, vector<64x768xf32>
      tpu.vector_store %arg11[%swap3A, %swap3A_56], %add3A_55 {strides = array<i32>} : memref<64x768xf32, #tpu.memory_space<vmem>>, vector<64x768xf32>,
    } else {
    }
    return
  }
  func.func @transform_0(%arg0: i32, %arg1: memref<128xi32, #tpu.memory_space<smem>>, %arg2: memref<128xi32, #tpu.memory_space<smem>>, %arg3: memref<1xi32, #tpu.memory_space<smem>>) -> (i32, i32) {
    %get3A = arith.index_cast %arg0 : i32 to index
    %get3A_0 = memref.load %arg2[%get3A] : memref<128xi32, #tpu.memory_space<smem>>
    %c0_i32 = arith.constant 0 : i32
    %c0_i32_1 = arith.constant 0 : i32
    return %get3A_0, %c0_i32 : i32, i32
  }
  func.func @transform_1(%arg0: i32, %arg1: memref<128xi32, #tpu.memory_space<smem>>, %arg2: memref<128xi32, #tpu.memory_space<smem>>, %arg3: memref<1xi32, #tpu.memory_space<smem>>) -> (i32, i32, i32) {
    %get3A = arith.index_cast %arg0 : i32 to index
    %get3A_0 = memref.load %arg1[%get3A] : memref<128xi32, #tpu.memory_space<smem>>
    %c0_i32 = arith.constant 0 : i32
    %c0_i32_1 = arith.constant 0 : i32
    %c0_i32_2 = arith.constant 0 : i32
    return %get3A_0, %c0_i32, %c0_i32_1 : i32, i32, i32
  }
  func.func @transform_2(%arg0: i32, %arg1: memref<128xi32, #tpu.memory_space<smem>>, %arg2: memref<128xi32, #tpu.memory_space<smem>>, %arg3: memref<1xi32, #tpu.memory_space<smem>>) -> (i32, i32, i32) {
    %get3A = arith.index_cast %arg0 : i32 to index
    %get3A_0 = memref.load %arg1[%get3A] : memref<128xi32, #tpu.memory_space<smem>>
    %c0_i32 = arith.constant 0 : i32
    %c0_i32_1 = arith.constant 0 : i32
    %c0_i32_2 = arith.constant 0 : i32
    return %get3A_0, %c0_i32, %c0_i32_1 : i32, i32, i32
  }
  func.func @transform_3(%arg0: i32, %arg1: memref<128xi32, #tpu.memory_space<smem>>, %arg2: memref<128xi32, #tpu.memory_space<smem>>, %arg3: memref<1xi32, #tpu.memory_space<smem>>) -> (i32, i32, i32) {
    %get3A = arith.index_cast %arg0 : i32 to index
    %get3A_0 = memref.load %arg1[%get3A] : memref<128xi32, #tpu.memory_space<smem>>
    %c0_i32 = arith.constant 0 : i32
    %c0_i32_1 = arith.constant 0 : i32
    %c0_i32_2 = arith.constant 0 : i32
    return %get3A_0, %c0_i32, %c0_i32_1 : i32, i32, i32
  }
  func.func @transform_4(%arg0: i32, %arg1: memref<128xi32, #tpu.memory_space<smem>>, %arg2: memref<128xi32, #tpu.memory_space<smem>>, %arg3: memref<1xi32, #tpu.memory_space<smem>>) -> (i32, i32, i32) {
    %get3A = arith.index_cast %arg0 : i32 to index
    %get3A_0 = memref.load %arg1[%get3A] : memref<128xi32, #tpu.memory_space<smem>>
    %c0_i32 = arith.constant 0 : i32
    %c0_i32_1 = arith.constant 0 : i32
    %c0_i32_2 = arith.constant 0 : i32
    return %get3A_0, %c0_i32, %c0_i32_1 : i32, i32, i32
  }
  func.func @transform_5(%arg0: i32, %arg1: memref<128xi32, #tpu.memory_space<smem>>, %arg2: memref<128xi32, #tpu.memory_space<smem>>, %arg3: memref<1xi32, #tpu.memory_space<smem>>) -> (i32, i32, i32) {
    %get3A = arith.index_cast %arg0 : i32 to index
    %get3A_0 = memref.load %arg1[%get3A] : memref<128xi32, #tpu.memory_space<smem>>
    %c0_i32 = arith.constant 0 : i32
    %c0_i32_1 = arith.constant 0 : i32
    %c0_i32_2 = arith.constant 0 : i32
    return %get3A_0, %c0_i32, %c0_i32_1 : i32, i32, i32
  }
  func.func @transform_6(%arg0: i32, %arg1: memref<128xi32, #tpu.memory_space<smem>>, %arg2: memref<128xi32, #tpu.memory_space<smem>>, %arg3: memref<1xi32, #tpu.memory_space<smem>>) -> (i32, i32, i32) {
    %get3A = arith.index_cast %arg0 : i32 to index
    %get3A_0 = memref.load %arg1[%get3A] : memref<128xi32, #tpu.memory_space<smem>>
    %c0_i32 = arith.constant 0 : i32
    %c0_i32_1 = arith.constant 0 : i32
    %c0_i32_2 = arith.constant 0 : i32
    return %get3A_0, %c0_i32, %c0_i32_1 : i32, i32, i32
  }
  func.func @transform_7(%arg0: i32, %arg1: memref<128xi32, #tpu.memory_space<smem>>, %arg2: memref<128xi32, #tpu.memory_space<smem>>, %arg3: memref<1xi32, #tpu.memory_space<smem>>) -> (i32, i32) {
    %get3A = arith.index_cast %arg0 : i32 to index
    %get3A_0 = memref.load %arg2[%get3A] : memref<128xi32, #tpu.memory_space<smem>>
    %c0_i32 = arith.constant 0 : i32
    %c0_i32_1 = arith.constant 0 : i32
    return %get3A_0, %c0_i32 : i32, i32
  }
}

module attributes {stable_mosaic.version = 14 : i64} {
  func.func @_combine_body(%arg0: i32, %arg1: memref<128x768xf32, #tpu.memory_space<vmem>>, %arg2: memref<128x768xf32, #tpu.memory_space<vmem>>, %arg3: memref<128x768xf32, #tpu.memory_space<vmem>>, %arg4: memref<128x2xf32, #tpu.memory_space<vmem>>, %arg5: memref<512x768xf32, #tpu.memory_space<vmem>>, %arg6: memref<1x512xf32, #tpu.memory_space<vmem>>, %arg7: memref<512x768xf32, #tpu.memory_space<vmem>>, %arg8: memref<1x512xf32, #tpu.memory_space<vmem>>, %arg9: memref<768x512xf32, #tpu.memory_space<vmem>>, %arg10: memref<1x768xf32, #tpu.memory_space<vmem>>, %arg11: memref<128x768xf32, #tpu.memory_space<vmem>>) attributes {dimension_semantics = [#tpu.dimension_semantics<arbitrary>], iteration_bounds = array<i64: 16>, scalar_prefetch = 0 : i64, scratch_operands = 0 : i64, tpu.core_type = #tpu.core_type<tc>, window_params = [{transform_indices = @transform_0, window_bounds = array<i64: 128, 768>}, {transform_indices = @transform_1, window_bounds = array<i64: 128, 768>}, {transform_indices = @transform_2, window_bounds = array<i64: 128, 768>}, {transform_indices = @transform_3, window_bounds = array<i64: 128, 2>}, {pipeline_mode = #tpu.pipeline_mode<synchronous>, transform_indices = @transform_4, window_bounds = array<i64: 512, 768>}, {pipeline_mode = #tpu.pipeline_mode<synchronous>, transform_indices = @transform_5, window_bounds = array<i64: 1, 512>}, {pipeline_mode = #tpu.pipeline_mode<synchronous>, transform_indices = @transform_6, window_bounds = array<i64: 512, 768>}, {pipeline_mode = #tpu.pipeline_mode<synchronous>, transform_indices = @transform_7, window_bounds = array<i64: 1, 512>}, {pipeline_mode = #tpu.pipeline_mode<synchronous>, transform_indices = @transform_8, window_bounds = array<i64: 768, 512>}, {pipeline_mode = #tpu.pipeline_mode<synchronous>, transform_indices = @transform_9, window_bounds = array<i64: 1, 768>}, {transform_indices = @transform_10, window_bounds = array<i64: 128, 768>}]} {
    %get3A = arith.constant 0 : index
    %get3A_0 = arith.constant 0 : index
    %get3A_1 = vector.load %arg1[%get3A, %get3A_0] : memref<128x768xf32, #tpu.memory_space<vmem>>, vector<128x768xf32>
    %get3A_2 = arith.constant 0 : index
    %get3A_3 = arith.constant 0 : index
    %get3A_4 = vector.load %arg5[%get3A_2, %get3A_3] : memref<512x768xf32, #tpu.memory_space<vmem>>, vector<512x768xf32>
    %dot_general3A = arith.constant dense<0.000000e+00> : vector<128x512xf32>
    %dot_general3A_5 = tpu.matmul %get3A_1, %get3A_4, %dot_general3A {dimension_numbers = #tpu.dot_dimension_numbers<[1], [1], [0], [0], [0, 0, 1, 0], [], []>, transpose_lhs_hint = false} : vector<128x768xf32>, vector<512x768xf32>, vector<128x512xf32> -> vector<128x512xf32>
    %get3A_6 = arith.constant 0 : index
    %get3A_7 = arith.constant 0 : index
    %get3A_8 = vector.load %arg6[%get3A_6, %get3A_7] : memref<1x512xf32, #tpu.memory_space<vmem>>, vector<1x512xf32>
    %add3A = vector.broadcast %get3A_8 : vector<1x512xf32> to vector<128x512xf32>
    %add3A_9 = arith.addf %dot_general3A_5, %add3A : vector<128x512xf32>
    %get3A_10 = arith.constant 0 : index
    %get3A_11 = arith.constant 0 : index
    %get3A_12 = vector.load %arg7[%get3A_10, %get3A_11] : memref<512x768xf32, #tpu.memory_space<vmem>>, vector<512x768xf32>
    %dot_general3A_13 = arith.constant dense<0.000000e+00> : vector<128x512xf32>
    %dot_general3A_14 = tpu.matmul %get3A_1, %get3A_12, %dot_general3A_13 {dimension_numbers = #tpu.dot_dimension_numbers<[1], [1], [0], [0], [0, 0, 1, 0], [], []>, transpose_lhs_hint = false} : vector<128x768xf32>, vector<512x768xf32>, vector<128x512xf32> -> vector<128x512xf32>
    %get3A_15 = arith.constant 0 : index
    %get3A_16 = arith.constant 0 : index
    %get3A_17 = vector.load %arg8[%get3A_15, %get3A_16] : memref<1x512xf32, #tpu.memory_space<vmem>>, vector<1x512xf32>
    %add3A_18 = vector.broadcast %get3A_17 : vector<1x512xf32> to vector<128x512xf32>
    %add3A_19 = arith.addf %dot_general3A_14, %add3A_18 : vector<128x512xf32>
    %logistic3A = arith.negf %add3A_9 : vector<128x512xf32>
    %logistic3A_20 = math.exp %logistic3A : vector<128x512xf32>
    %logistic3A_21 = arith.constant 1.000000e+00 : f32
    %logistic3A_22 = vector.broadcast %logistic3A_21 : f32 to vector<128x512xf32>
    %logistic3A_23 = arith.addf %logistic3A_22, %logistic3A_20 : vector<128x512xf32>
    %logistic3A_24 = arith.divf %logistic3A_22, %logistic3A_23 : vector<128x512xf32>
    %mul3A = arith.mulf %add3A_9, %logistic3A_24 : vector<128x512xf32>
    %mul3A_25 = arith.mulf %mul3A, %add3A_19 : vector<128x512xf32>
    %get3A_26 = arith.constant 0 : index
    %get3A_27 = arith.constant 0 : index
    %get3A_28 = vector.load %arg9[%get3A_26, %get3A_27] : memref<768x512xf32, #tpu.memory_space<vmem>>, vector<768x512xf32>
    %dot_general3A_29 = arith.constant dense<0.000000e+00> : vector<128x768xf32>
    %dot_general3A_30 = tpu.matmul %mul3A_25, %get3A_28, %dot_general3A_29 {dimension_numbers = #tpu.dot_dimension_numbers<[1], [1], [0], [0], [0, 0, 1, 0], [], []>, transpose_lhs_hint = false} : vector<128x512xf32>, vector<768x512xf32>, vector<128x768xf32> -> vector<128x768xf32>
    %get3A_31 = arith.constant 0 : index
    %get3A_32 = arith.constant 0 : index
    %get3A_33 = vector.load %arg10[%get3A_31, %get3A_32] : memref<1x768xf32, #tpu.memory_space<vmem>>, vector<1x768xf32>
    %add3A_34 = vector.broadcast %get3A_33 : vector<1x768xf32> to vector<128x768xf32>
    %add3A_35 = arith.addf %dot_general3A_30, %add3A_34 : vector<128x768xf32>
    %get3A_36 = arith.constant 0 : index
    %get3A_37 = arith.constant 0 : index
    %get3A_38 = vector.load %arg4[%get3A_36, %get3A_37] : memref<128x2xf32, #tpu.memory_space<vmem>>, vector<128x1xf32>
    %get3A_39 = arith.constant 0 : index
    %get3A_40 = arith.constant 0 : index
    %get3A_41 = vector.load %arg2[%get3A_39, %get3A_40] : memref<128x768xf32, #tpu.memory_space<vmem>>, vector<128x768xf32>
    %mul3A_42 = vector.broadcast %get3A_38 : vector<128x1xf32> to vector<128x768xf32>
    %mul3A_43 = arith.mulf %mul3A_42, %get3A_41 : vector<128x768xf32>
    %get3A_44 = arith.constant 0 : index
    %get3A_45 = arith.constant 1 : index
    %get3A_46 = vector.load %arg4[%get3A_44, %get3A_45] : memref<128x2xf32, #tpu.memory_space<vmem>>, vector<128x1xf32>
    %get3A_47 = arith.constant 0 : index
    %get3A_48 = arith.constant 0 : index
    %get3A_49 = vector.load %arg3[%get3A_47, %get3A_48] : memref<128x768xf32, #tpu.memory_space<vmem>>, vector<128x768xf32>
    %mul3A_50 = vector.broadcast %get3A_46 : vector<128x1xf32> to vector<128x768xf32>
    %mul3A_51 = arith.mulf %mul3A_50, %get3A_49 : vector<128x768xf32>
    %add3A_52 = arith.addf %mul3A_43, %mul3A_51 : vector<128x768xf32>
    %add3A_53 = arith.addf %add3A_52, %add3A_35 : vector<128x768xf32>
    %swap3A = arith.constant 0 : index
    %swap3A_54 = arith.constant 0 : index
    %swap3A_55 = vector.load %arg11[%swap3A, %swap3A_54] : memref<128x768xf32, #tpu.memory_space<vmem>>, vector<128x768xf32>
    tpu.vector_store %arg11[%swap3A, %swap3A_54], %add3A_53 {strides = array<i32>} : memref<128x768xf32, #tpu.memory_space<vmem>>, vector<128x768xf32>,
    return
  }
  func.func @transform_0(%arg0: i32) -> (i32, i32) {
    %c0_i32 = arith.constant 0 : i32
    %c0_i32_0 = arith.constant 0 : i32
    return %arg0, %c0_i32 : i32, i32
  }
  func.func @transform_1(%arg0: i32) -> (i32, i32) {
    %c0_i32 = arith.constant 0 : i32
    %c0_i32_0 = arith.constant 0 : i32
    return %arg0, %c0_i32 : i32, i32
  }
  func.func @transform_2(%arg0: i32) -> (i32, i32) {
    %add3A = arith.constant 16 : i32
    %add3A_0 = arith.addi %arg0, %add3A : i32
    %c0_i32 = arith.constant 0 : i32
    %c0_i32_1 = arith.constant 0 : i32
    return %add3A_0, %c0_i32 : i32, i32
  }
  func.func @transform_3(%arg0: i32) -> (i32, i32) {
    %c0_i32 = arith.constant 0 : i32
    %c0_i32_0 = arith.constant 0 : i32
    return %arg0, %c0_i32 : i32, i32
  }
  func.func @transform_4(%arg0: i32) -> (i32, i32) {
    %c0_i32 = arith.constant 0 : i32
    %c0_i32_0 = arith.constant 0 : i32
    %c0_i32_1 = arith.constant 0 : i32
    return %c0_i32, %c0_i32_0 : i32, i32
  }
  func.func @transform_5(%arg0: i32) -> (i32, i32) {
    %c0_i32 = arith.constant 0 : i32
    %c0_i32_0 = arith.constant 0 : i32
    %c0_i32_1 = arith.constant 0 : i32
    return %c0_i32, %c0_i32_0 : i32, i32
  }
  func.func @transform_6(%arg0: i32) -> (i32, i32) {
    %c0_i32 = arith.constant 0 : i32
    %c0_i32_0 = arith.constant 0 : i32
    %c0_i32_1 = arith.constant 0 : i32
    return %c0_i32, %c0_i32_0 : i32, i32
  }
  func.func @transform_7(%arg0: i32) -> (i32, i32) {
    %c0_i32 = arith.constant 0 : i32
    %c0_i32_0 = arith.constant 0 : i32
    %c0_i32_1 = arith.constant 0 : i32
    return %c0_i32, %c0_i32_0 : i32, i32
  }
  func.func @transform_8(%arg0: i32) -> (i32, i32) {
    %c0_i32 = arith.constant 0 : i32
    %c0_i32_0 = arith.constant 0 : i32
    %c0_i32_1 = arith.constant 0 : i32
    return %c0_i32, %c0_i32_0 : i32, i32
  }
  func.func @transform_9(%arg0: i32) -> (i32, i32) {
    %c0_i32 = arith.constant 0 : i32
    %c0_i32_0 = arith.constant 0 : i32
    %c0_i32_1 = arith.constant 0 : i32
    return %c0_i32, %c0_i32_0 : i32, i32
  }
  func.func @transform_10(%arg0: i32) -> (i32, i32) {
    %c0_i32 = arith.constant 0 : i32
    %c0_i32_0 = arith.constant 0 : i32
    return %arg0, %c0_i32 : i32, i32
  }
}

</mosaic_0001>

<sc_bundles>
// kernel: kernel.10.cloned.1.call-start
scs
__scs_entry_jumppad:
0x0: {  	(pc) =	sbr.rel $0x88, $3  }
0x1: {  	(tag) =	ssettag $0x0;
	lr =	simm.s32 $0x1  }
0x2: {  	[smem:$0x3F93] =	sst lr;
	_ =	strace $0xD0000000  }
0x3: {  	_ = 	snop  }
0x4: {  	_ = 	snop  }
0x5: {  	_ = 	snop  }
0x6: {  	_ = 	snop  }
0x7: {  	_ = 	snop  }
__scs_overlays_trampoline_lowered:
0x8: {  	[smem:$0x3FA2] =	sst s0  }
0x9: {  	[smem:$0x3FA3] =	sst s1  }
0xa: {  	[smem:$0x3FA4] =	sst s2  }
0xb: {  	[smem:$0x3FA5] =	sst s3  }
0xc: {  	[smem:$0x3FA6] =	sst s4  }
0xd: {  	[smem:$0x3FA7] =	sst s5  }
0xe: {  	[smem:$0x3FA8] =	sst s6  }
0xf: {  	[smem:$0x3FA9] =	sst s7  }
0x10: {  	[smem:$0x3FAA] =	sst s8  }
0x11: {  	[smem:$0x3FAB] =	sst s9;
	s0 =	simm.s32 @!p0 $0x0  }
0x12: {  	s1 =	sld [smem:$0x3F91];
	s0 =	simm.s32 @p0 $0x1  }
0x13: {  	[smem:$0x3FAC] =	sst s0;
	s0 =	simm.s32 @!p1 $0x0  }
0x14: {  	s2 =	sld [smem:$0x3F90];
	s0 =	simm.s32 @p1 $0x1  }
0x15: {  	[smem:$0x3FAD] =	sst s0;
	s0 =	simm.s32 @!p2 $0x0  }
0x16: {  	s3 =	sld [smem:$0x3FDB];
	s0 =	simm.s32 @p2 $0x1  }
0x17: {  	s4 =	simm.s32 $0x1BF5;
	[smem:$0x3FAF] =	sst s0  }
0x18: {  	s0 =	sld [smem:$0x3F92];
	_ =	swait.ge [sflag:s4], $0x0  }
0x19: {  	s7 =	sld [smem:$0x3F93]  }
0x1a: {  	s8 =	sadd.s32 $0xFFFFE003, lr  }
0x1b: {  	s9 =	sadd.s32 $0xFFFFFEF7, lr;
	s5 =	simm.s32 $0xFFFFFFFF;
	p2 =	slt.u32 s8, $0xFFFFF086  }
0x1c: {  	p1 =	slt.u32 s9, $0xF7A;
	s5 =	simm.s32 @!p2 $0x0  }
0x1d: {  	s5 =	simm.s32 @p1 $0x1;
	p0 =	seq.s32 s7, s2  }
0x1e: {  	s7 =	smul.u32 @!p0 $0xF7A, s2;
	p2 =	seq.s32 @!p0 s5, $0x0  }
0x1f: {  	s9 =	smul.u32 $0xF7A, s1;
	s8 =	simm.s32 @!p0 $0x1BF5;
	p2 =	por !p2, p0  }
0x20: {  	[sflag:s8] =	ssyncset.s32 @!p0 $0xFFFFF086;
	s6 =	sadd.s32 @!p0 s3, s7;
	s7 =	simm.s32 @!p0 $0x108  }
0x21: {  	s3 =	sadd.s32 s3, s9;
	s6 =	sadd.s32 @!p0 $0x88, s6;
	s7 =	simm.s32 @p2 $0x1082  }
0x22: {  	[simem:s7], [sflag:s8] =	dma.local @!p0 [hbm:s6], $0xF7A  }
0x23: {  	s9 =	sor.u32 $0xD0000000, s2;
	s6 =	simm.s32 $0x108;
	_ =	swait.ge @!p0 [sflag:s8], $0x0  }
0x24: {  	s3 =	sadd.s32 $0x88, s3;
	s6 =	simm.s32 @!p1 $0x1082;
	[sflag:s4] =	ssyncset.s32 $0xFFFFF086  }
0x25: {  	[simem:s6], [sflag:s4] =	dma.local [hbm:s3], $0xF7A  }
0x26: {  	[smem:$0x3F93] =	sst s1;
	(tag) =	ssettag s2;
	_ =	strace s9  }
0x27: {  	s1 =	sld [smem:$0x3FA3]  }
0x28: {  	s2 =	sld [smem:$0x3FA4]  }
0x29: {  	s4 =	sld [smem:$0x3FA6]  }
0x2a: {  	p0 =	seq.s32 s5, $0x0;
	s5 =	sld [smem:$0x3FA7]  }
0x2b: {  	s6 =	sld [smem:$0x3FA8]  }
0x2c: {  	s7 =	sld [smem:$0x3FA9]  }
0x2d: {  	s3 =	simm.s32 $0x108;
	s8 =	sld [smem:$0x3FAA]  }
0x2e: {  	s3 =	simm.s32 @!p0 $0x1082;
	s9 =	sld [smem:$0x3FAB]  }
0x2f: {  	lr =	sadd.s32 s0, s3;
	s0 =	sld [smem:$0x3FA2]  }
0x30: {  	s3 =	sld [smem:$0x3FA5]  }
0x31: {  	[smem:$0x3FAE] =	sst s10  }
0x32: {  	s10 =	sld [smem:$0x3FAC];
	_ =	sdelay $0x3  }
0x33: {  	p0 =	seq.s32 s10, $0x1;
	s10 =	sld [smem:$0x3FAE];
	_ =	sdelay $0x3  }
0x34: {  	[smem:$0x3FAE] =	sst s10  }
0x35: {  	s10 =	sld [smem:$0x3FAD];
	_ =	sdelay $0x3  }
0x36: {  	p1 =	seq.s32 s10, $0x1;
	s10 =	sld [smem:$0x3FAE];
	_ =	sdelay $0x3  }
0x37: {  	[smem:$0x3FAE] =	sst s10  }
0x38: {  	s10 =	sld [smem:$0x3FAF]  }
0x39: {  	_ = 	snop;
	(pc) =	sbr.ind lr, $3  }
0x3a: {  	_ = 	snop  }
0x3b: {  	_ = 	snop  }
0x3c: {  	p2 =	seq.s32 s10, $0x1;
	s10 =	sld [smem:$0x3FAE]  }
0x3d: {  	_ =	shalt  }
0x3e: {  	_ =	shalt  }
0x3f: {  	_ =	shalt  }
0x40: {  	_ =	shalt  }
0x41: {  	_ =	shalt  }
0x42: {  	_ =	shalt  }
0x43: {  	_ =	shalt  }
0x44: {  	_ =	shalt  }
0x45: {  	_ =	shalt  }
0x46: {  	_ =	shalt  }
0x47: {  	_ =	shalt  }
0x48: {  	_ =	shalt  }
0x49: {  	_ =	shalt  }
0x4a: {  	_ =	shalt  }
0x4b: {  	_ =	shalt  }
0x4c: {  	_ =	shalt  }
0x4d: {  	_ =	shalt  }
0x4e: {  	_ =	shalt  }
0x4f: {  	_ =	shalt  }
0x50: {  	_ =	shalt  }
0x51: {  	_ =	shalt  }
0x52: {  	_ =	shalt  }
0x53: {  	_ =	shalt  }
0x54: {  	_ =	shalt  }
0x55: {  	_ =	shalt  }
0x56: {  	_ =	shalt  }
0x57: {  	_ =	shalt  }
0x58: {  	_ =	shalt  }
0x59: {  	_ =	shalt  }
0x5a: {  	_ =	shalt  }
0x5b: {  	_ =	shalt  }
0x5c: {  	_ =	shalt  }
0x5d: {  	_ =	shalt  }
0x5e: {  	_ =	shalt  }
0x5f: {  	_ =	shalt  }
0x60: {  	_ =	shalt  }
0x61: {  	_ =	shalt  }
0x62: {  	_ =	shalt  }
0x63: {  	_ =	shalt  }
0x64: {  	_ =	shalt  }
0x65: {  	_ =	shalt  }
0x66: {  	_ =	shalt  }
0x67: {  	_ =	shalt  }
0x68: {  	_ =	shalt  }
0x69: {  	_ =	shalt  }
0x6a: {  	_ =	shalt  }
0x6b: {  	_ =	shalt  }
0x6c: {  	_ =	shalt  }
0x6d: {  	_ =	shalt  }
0x6e: {  	_ =	shalt  }
0x6f: {  	_ =	shalt  }
0x70: {  	_ =	shalt  }
0x71: {  	_ =	shalt  }
0x72: {  	_ =	shalt  }
0x73: {  	_ =	shalt  }
0x74: {  	_ =	shalt  }
0x75: {  	_ =	shalt  }
0x76: {  	_ =	shalt  }
0x77: {  	_ =	shalt  }
0x78: {  	_ =	shalt  }
0x79: {  	_ =	shalt  }
0x7a: {  	_ =	shalt  }
0x7b: {  	_ =	shalt  }
0x7c: {  	_ =	shalt  }
0x7d: {  	_ =	shalt  }
0x7e: {  	_ =	shalt  }
0x7f: {  	_ =	shalt  }
0x80: {  	_ =	shalt  }
0x81: {  	_ =	shalt  }
0x82: {  	_ =	shalt  }
0x83: {  	_ =	shalt  }
0x84: {  	_ =	shalt  }
0x85: {  	_ =	shalt  }
0x86: {  	_ =	shalt  }
0x87: {  	_ =	shalt  }
.Lfunc_end0:
.L_simem_size_0:
called_computation.1_lowered:
.L_overlay_start_0:
0x88: {  	s2 =	sld [smem:$0x3FD9]  }
0x89: {  	s3 =	sld [smem:$0x3FFE];
	_ =	sdelay $0x1  }
0x8a: {  	s1 =	srdreg.scid  }
0x8b: {  	s0 =	sand.u32 $0x1, s1  }
0x8c: {  	s17 =	sshll.u32 s0, $0xA;
	s2 =	sadd.s32 s3, s2  }
0x8d: {  	s2 =	sadd.s32 s2, s17  }
0x8e: {  	[smem:$0x3FBA] =	sst s2  }
0x8f: {  	_ = 	snop  }
0x90: {  	s2 =	sld [smem:$0x3FD0];
	(tm) =	ssettm $0x1  }
0x91: {  	s18 =	sld [smem:$0x3FFB];
	_ =	sdelay $0x3  }
0x92: {  	_ =	strace s18  }
0x93: {  	s3 =	sld [smem:$0x3FFC];
	_ =	sdelay $0x3  }
0x94: {  	_ =	strace s3  }
0x95: {  	s3 =	sld [smem:$0x3FFD];
	_ =	sdelay $0x3  }
0x96: {  	_ =	strace s3  }
0x97: {  	_ =	strace $0x8FFFFFFF  }
0x98: {  	s19 =	sld [smem:$0x3FDB];
	_ =	sdelay $0x1  }
0x99: {  	s4 =	simm.s32 $_scs_section_size  }
0x9a: {  	s5 =	simm.s32 $_size__tile_overlayer_lowered;
	s6 =	simm.s32 $_tile_overlayer_lowered  }
0x9b: {  	s22 =	simm.s32 $0x1BFF;
	s21 =	sshll.u32 s6, $0x1;
	s3 =	sadd.s32 s4, s19  }
0x9c: {  	s7 =	simm.s32 $0x0;
	s20 =	sshll.u32 s5, $0x1;
	s5 =	sadd.s32 s21, s3  }
0x9d: {  	[timem:s7], [sflag:s22] =	dma.local [hbm:s5], s20  }
0x9e: {  	_ =	swait.ge [sflag:s22], s20  }
0x9f: {  	s4 =	ssub.s32 $0x0, s20;
	[sflag:s22] =	ssyncset.done $0x0  }
0xa0: {  	[sflag:s22] =	ssyncadd.s32 s4;
	_ =	sdelay $0x1  }
0xa1: {  	s23 =	simm.s32 $0x1B8B  }
0xa2: {  	_ =	swait.ge [sflag:s23], $0x1  }
0xa3: {  	[sflag:s23] =	ssyncset.done $0x0  }
0xa4: {  	s25 =	simm.s32 $0x1B8E;
	s24 =	sld [smem:$0x3FFE];
	[sflag:s23] =	ssyncadd.s32 $0xFFFFFFFF  }
0xa5: {  	s26 =	simm.s32 $execute0_lowered;
	[smem:$0x3FD2] =	sst s25  }
0xa6: {  	s5 =	sshll.u32 s26, $0x1;
	_ =	strace $0x80000049;
	[dreg:$0x1] =	wrdreg $0xFFFFFFFF  }
0xa7: {  	s28 =	simm.s32 $_size_execute0_lowered;
	s3 =	sadd.s32 s3, s5;
	[dreg:$0x0] =	wrdreg $0x0  }
0xa8: {  	s5 =	sshll.u32 s28, $0x1;
	[dreg:$0x2] =	wrdreg s3  }
0xa9: {  	[dreg:$0x3] =	wrdreg s5  }
0xaa: {  	[dreg:$0x4] =	wrdreg $0xC0  }
0xab: {  	_ =	task [dreg:s7], $0x5FFFF  }
0xac: {  	[dreg:$0x1] =	wrdreg $0xFFFFFFFF  }
0xad: {  	[dreg:$0x0] =	wrdreg $0x60  }
0xae: {  	[dreg:$0x2] =	wrdreg s24  }
0xaf: {  	[dreg:$0x3] =	wrdreg s2  }
0xb0: {  	[dreg:$0x4] =	wrdreg $0x9  }
0xb1: {  	_ =	task.clear_ibuf [dreg:s7], $0x5FFFF;
	_ =	strace $0x90000049  }
0xb2: {  	s29 =	simm.s32 $0x9;
	_ =	strace $0x8000004B  }
0xb3: {  	_ =	swait.ge [sflag:s29], $0x1  }
0xb4: {  	[sflag:s29] =	ssyncadd.s32 $0xFFFFFFFF  }
0xb5: {  	_ =	strace $0x9000004B  }
0xb6: {  	_ =	sfence  }
0xb7: {  	s30 =	sld [smem:$0x0];
	_ =	sdelay $0x2  }
0xb8: {  	s31 =	sshll.u32 s1, $0xD;
	s1 =	sshrl.u32 s1, $0x2  }
0xb9: {  	s3 =	sand.u32 $0x4000, s31;
	s1 =	sadd.s32 s1, s30  }
0xba: {  	s0 =	sor.u32 s3, s0;
	s1 =	sshll.u32 s1, $0x11  }
0xbb: {  	s0 =	sor.u32 s1, s0  }
0xbc: {  	s0 =	sadd.s32 $0x8F2B, s0  }
0xbd: {  	[sflag:s0] =	ssyncadd.remote.s32 $0x1  }
0xbe: {  	_ =	sfence.sel $0xFFFF  }
0xbf: {  	[dreg:$0x0] =	wrdreg $0xFFFFFFFF;
	(pc) =	sbr.abs _section_cstart, $3  }
0xc0: {  	[dreg:$0x1] =	wrdreg $0xFFFFFFFF  }
0xc1: {  	_ =	task.clear_ibuf [dreg:s7], $0x2FFFF;
	_ =	strace $0x9FFFFFFF  }
0xc2: {  	(tm) =	ssettm $0x7FFFFFFF  }
0xc3: {  	_ =	shalt  }
tec
execute0_lowered:
.L_overlay_start_1:
0x0: {  	(tag) =	ssettag $0x1  }
0x1: {  	s1 =	srdreg.scid  }
0x2: {  	s0 =	stileid.u32;
	s4 =	sand.u32 $0x1, s1  }
0x3: {  	s5 =	rddreg [dreg:$0x1];
	s2 =	sshll.u32 s0, $0x5;
	s3 =	sshll.u32 s4, $0x4  }
0x4: {  	s1 =	rddreg [dreg:$0x0];
	s3 =	sor.u32 s3, s2;
	s2 =	simm.s32 $0x0  }
0x5: {  	s6 =	smul.u32 $0x300, s3;
	[smem:$0x7FF] =	sst s2;
	s3 =	sadd.s32 s5, s3  }
0x6: {  	s25 =	simm.s32 $0x18000;
	_ =	strace $0x8000004A;
	[dreg:$0x3] =	wrdreg s3  }
0x7: {  	s26 =	simm.s32 $0x800;
	[dreg:$0x5] =	wrdreg s25  }
0x8: {  	s0 =	simm.s32 $0x1000;
	[dreg:$0x6] =	wrdreg s26  }
0x9: {  	s5 =	simm.s32 $0x1800;
	[dreg:$0x7] =	wrdreg s0  }
0xa: {  	s7 =	simm.s32 $0x2800;
	[dreg:$0x8] =	wrdreg s5  }
0xb: {  	s8 =	simm.s32 $0x3000;
	[dreg:$0xa] =	wrdreg s7  }
0xc: {  	s9 =	simm.s32 $0x3800;
	[dreg:$0xb] =	wrdreg s8  }
0xd: {  	s10 =	simm.s32 $0x4000;
	[dreg:$0xc] =	wrdreg s9  }
0xe: {  	s11 =	simm.s32 $0x4800;
	[dreg:$0xd] =	wrdreg s10  }
0xf: {  	s12 =	simm.s32 $0x5000;
	[dreg:$0xe] =	wrdreg s11  }
0x10: {  	s13 =	simm.s32 $0x5800;
	[dreg:$0xf] =	wrdreg s12  }
0x11: {  	s14 =	simm.s32 $0x6000;
	[dreg:$0x10] =	wrdreg s13  }
0x12: {  	s15 =	simm.s32 $0x6800;
	[dreg:$0x11] =	wrdreg s14  }
0x13: {  	s16 =	simm.s32 $0x7000;
	[dreg:$0x12] =	wrdreg s15  }
0x14: {  	s17 =	simm.s32 $0x7800;
	s18 =	simm.s32 $0x8000;
	[dreg:$0x13] =	wrdreg s16  }
0x15: {  	s19 =	simm.s32 $0x8800;
	s20 =	simm.s32 $0x9000;
	[dreg:$0x14] =	wrdreg s17  }
0x16: {  	s21 =	simm.s32 $0x9800;
	s22 =	simm.s32 $0xA000;
	[dreg:$0x15] =	wrdreg s18  }
0x17: {  	s28 =	simm.s32 $0x16000;
	s29 =	simm.s32 $0x16800;
	[dreg:$0x16] =	wrdreg s19  }
0x18: {  	s30 =	simm.s32 $0x17000;
	s4 =	ssub.s32 $0x2, s4;
	[dreg:$0x17] =	wrdreg s20  }
0x19: {  	s31 =	simm.s32 $0x17800;
	s23 =	sshrl.u32 s4, $0x1;
	[dreg:$0x18] =	wrdreg s21  }
0x1a: {  	s3 =	sadd.s32 $0xC1A00, s1;
	[dreg:$0x19] =	wrdreg s22;
	s25 =	simm.s32 $0xB000  }
0x1b: {  	s7 =	simm.s32 $0xB800;
	s5 =	sadd.s32 $0xC1C00, s1;
	s26 =	simm.s32 $0xC000  }
0x1c: {  	s9 =	simm.s32 $0xD000;
	s10 =	simm.s32 $0xD800;
	s11 =	simm.s32 $0xE000  }
0x1d: {  	s12 =	simm.s32 $0xE800;
	s13 =	simm.s32 $0xF000;
	s14 =	simm.s32 $0xF800  }
0x1e: {  	s15 =	simm.s32 $0x10000;
	s16 =	simm.s32 $0x10800;
	s17 =	simm.s32 $0x11000  }
0x1f: {  	s18 =	simm.s32 $0x11800;
	s19 =	simm.s32 $0x12000;
	s20 =	simm.s32 $0x12800  }
0x20: {  	s21 =	simm.s32 $0x13000;
	s22 =	simm.s32 $0x13800;
	[dreg:$0x1b] =	wrdreg s25  }
0x21: {  	s6 =	sadd.s32 s6, s1;
	[dreg:$0x1c] =	wrdreg s7;
	s7 =	simm.s32 $0x2  }
0x22: {  	[dreg:$0x1d] =	wrdreg s26;
	s25 =	simm.s32 $0x15000;
	s24 =	sadd.s32 $0x1800, s6  }
0x23: {  	s26 =	simm.s32 $0x15800;
	s6 =	simm.s32 $0x2000;
	[dreg:$0x4] =	wrdreg s24  }
0x24: {  	v2 =	vlaneseq.u32;
	[dreg:$0x9] =	wrdreg s6;
	s24 =	simm.s32 $0xA800;
	s6 =	ssub.s32 s4, s23  }
0x25: {  	vm0 =	vmmov $0xffff;
	v1 =	vshrl.u32 v2, $0x3;
	s4 =	sadd.s32 $0xC1B00, s1;
	s23 =	simm.s32 $0x14000;
	s1 =	simm.s32 $0x1  }
0x26: {  	v0 =	vand.u32 $0x7, v2;
	v2 =	vor.u32 $0x8, v2;
	v1 =	vmul.u32 $0x8, v1;
	[dreg:$0x1a] =	wrdreg s24;
	s6 =	smax.u32 s6, $0x1;
	s24 =	simm.s32 $0x14800  }
.LBB2_1:
0x27: {  	s0 =	rddreg [dreg:$0x3]  }
0x28: {  	s8 =	rddreg [dreg:$0x5]  }
0x29: {  	[tilespmem:s8], [sflag:$0x2] =	stream.linear.gather [hbm4b:s0+s2], $0x80, $0x38;
	[tilespmem:$0x18080] =	vst v63  }
0x2a: {  	_ =	swait.ge [sflag:s7], $0x80  }
0x2b: {  	[sflag:s7] =	ssyncset.done $0x0  }
0x2c: {  	[sflag:s7] =	ssyncadd.s32 $0xFFFFFF80  }
0x2d: {  	v3 =	vld [tilespmem:$0x18000];
	_ =	sdelay $0x4  }
0x2e: {  	v4 =	vshrl.u32 v3, $0x3  }
0x2f: {  	v4 =	vmul.u32 $0x30, v4  }
0x30: {  	v3 =	vand.u32 $0x7, v3  }
0x31: {  	v3 =	vor.u32 v3, v4  }
0x32: {  	v4 =	vperm.xlane v3, v0;
	_ =	sdelay $0x1  }
0x33: {  	v4 =	vadd.s32 v1, v4;
	_ =	sdelay $0x3  }
0x34: {  	v3 =	vperm.xlane v3, v2  }
0x35: {  	[tilespmem:s2], [sflag:$0x1] =	stream.indirect_vreg.gather [hbm4b:s3+s2], $0x80, v4, vm0, $0xb8;
	[tilespmem:$0x18080] =	vst v63  }
0x36: {  	s0 =	rddreg [dreg:$0x6];
	v3 =	vadd.s32 v1, v3  }
0x37: {  	[tilespmem:s0], [sflag:$0x1] =	stream.indirect_vreg.gather [hbm4b:s4+s2], $0x80, v4, vm0, $0xb8;
	[tilespmem:$0x18080] =	vst v63  }
0x38: {  	s8 =	rddreg [dreg:$0x7]  }
0x39: {  	[tilespmem:s8], [sflag:$0x1] =	stream.indirect_vreg.gather [hbm4b:s5+s2], $0x80, v4, vm0, $0xb8;
	[tilespmem:$0x18080] =	vst v63  }
0x3a: {  	s0 =	rddreg [dreg:$0x8]  }
0x3b: {  	[tilespmem:s0], [sflag:$0x1] =	stream.indirect_vreg.gather [hbm4b:s3+s2], $0x80, v3, vm0, $0xb8;
	[tilespmem:$0x18080] =	vst v63  }
0x3c: {  	s8 =	rddreg [dreg:$0x9]  }
0x3d: {  	[tilespmem:s8], [sflag:$0x1] =	stream.indirect_vreg.gather [hbm4b:s4+s2], $0x80, v3, vm0, $0xb8;
	[tilespmem:$0x18080] =	vst v63  }
0x3e: {  	s0 =	rddreg [dreg:$0xa]  }
0x3f: {  	[tilespmem:s0], [sflag:$0x1] =	stream.indirect_vreg.gather [hbm4b:s5+s2], $0x80, v3, vm0, $0xb8;
	[tilespmem:$0x18080] =	vst v63  }
0x40: {  	v3 =	vld [tilespmem:$0x18010];
	_ =	sdelay $0x4  }
0x41: {  	v57 =	vshrl.u32 v3, $0x3  }
0x42: {  	v4 =	vmul.u32 $0x30, v57  }
0x43: {  	v3 =	vand.u32 $0x7, v3  }
0x44: {  	v3 =	vor.u32 v3, v4  }
0x45: {  	v4 =	vperm.xlane v3, v0;
	_ =	sdelay $0x1  }
0x46: {  	v4 =	vadd.s32 v1, v4;
	_ =	sdelay $0x3  }
0x47: {  	s0 =	rddreg [dreg:$0xb];
	v3 =	vperm.xlane v3, v2  }
0x48: {  	[tilespmem:s0], [sflag:$0x1] =	stream.indirect_vreg.gather [hbm4b:s3+s2], $0x80, v4, vm0, $0xb8;
	[tilespmem:$0x18080] =	vst v63  }
0x49: {  	s8 =	rddreg [dreg:$0xc];
	v3 =	vadd.s32 v1, v3  }
0x4a: {  	[tilespmem:s8], [sflag:$0x1] =	stream.indirect_vreg.gather [hbm4b:s4+s2], $0x80, v4, vm0, $0xb8;
	[tilespmem:$0x18080] =	vst v63  }
0x4b: {  	s0 =	rddreg [dreg:$0xd]  }
0x4c: {  	[tilespmem:s0], [sflag:$0x1] =	stream.indirect_vreg.gather [hbm4b:s5+s2], $0x80, v4, vm0, $0xb8;
	[tilespmem:$0x18080] =	vst v63  }
0x4d: {  	s8 =	rddreg [dreg:$0xe]  }
0x4e: {  	[tilespmem:s8], [sflag:$0x1] =	stream.indirect_vreg.gather [hbm4b:s3+s2], $0x80, v3, vm0, $0xb8;
	[tilespmem:$0x18080] =	vst v63  }
0x4f: {  	s0 =	rddreg [dreg:$0xf]  }
0x50: {  	[tilespmem:s0], [sflag:$0x1] =	stream.indirect_vreg.gather [hbm4b:s4+s2], $0x80, v3, vm0, $0xb8;
	[tilespmem:$0x18080] =	vst v63  }
0x51: {  	s8 =	rddreg [dreg:$0x10]  }
0x52: {  	[tilespmem:s8], [sflag:$0x1] =	stream.indirect_vreg.gather [hbm4b:s5+s2], $0x80, v3, vm0, $0xb8;
	[tilespmem:$0x18080] =	vst v63  }
0x53: {  	v3 =	vld [tilespmem:$0x18020];
	_ =	sdelay $0x4  }
0x54: {  	v58 =	vshrl.u32 v3, $0x3  }
0x55: {  	v4 =	vmul.u32 $0x30, v58  }
0x56: {  	v3 =	vand.u32 $0x7, v3  }
0x57: {  	v3 =	vor.u32 v3, v4  }
0x58: {  	v4 =	vperm.xlane v3, v0;
	_ =	sdelay $0x1  }
0x59: {  	v4 =	vadd.s32 v1, v4;
	_ =	sdelay $0x3  }
0x5a: {  	s0 =	rddreg [dreg:$0x11];
	v3 =	vperm.xlane v3, v2  }
0x5b: {  	[tilespmem:s0], [sflag:$0x1] =	stream.indirect_vreg.gather [hbm4b:s3+s2], $0x80, v4, vm0, $0xb8;
	[tilespmem:$0x18080] =	vst v63  }
0x5c: {  	s8 =	rddreg [dreg:$0x12];
	v3 =	vadd.s32 v1, v3  }
0x5d: {  	[tilespmem:s8], [sflag:$0x1] =	stream.indirect_vreg.gather [hbm4b:s4+s2], $0x80, v4, vm0, $0xb8;
	[tilespmem:$0x18080] =	vst v63  }
0x5e: {  	s0 =	rddreg [dreg:$0x13]  }
0x5f: {  	[tilespmem:s0], [sflag:$0x1] =	stream.indirect_vreg.gather [hbm4b:s5+s2], $0x80, v4, vm0, $0xb8;
	[tilespmem:$0x18080] =	vst v63  }
0x60: {  	s8 =	rddreg [dreg:$0x14]  }
0x61: {  	[tilespmem:s8], [sflag:$0x1] =	stream.indirect_vreg.gather [hbm4b:s3+s2], $0x80, v3, vm0, $0xb8;
	[tilespmem:$0x18080] =	vst v63  }
0x62: {  	s0 =	rddreg [dreg:$0x15]  }
0x63: {  	[tilespmem:s0], [sflag:$0x1] =	stream.indirect_vreg.gather [hbm4b:s4+s2], $0x80, v3, vm0, $0xb8;
	[tilespmem:$0x18080] =	vst v63  }
0x64: {  	s8 =	rddreg [dreg:$0x16]  }
0x65: {  	[tilespmem:s8], [sflag:$0x1] =	stream.indirect_vreg.gather [hbm4b:s5+s2], $0x80, v3, vm0, $0xb8;
	[tilespmem:$0x18080] =	vst v63  }
0x66: {  	v3 =	vld [tilespmem:$0x18030];
	_ =	sdelay $0x4  }
0x67: {  	v59 =	vshrl.u32 v3, $0x3  }
0x68: {  	v4 =	vmul.u32 $0x30, v59  }
0x69: {  	v3 =	vand.u32 $0x7, v3  }
0x6a: {  	v3 =	vor.u32 v3, v4  }
0x6b: {  	v4 =	vperm.xlane v3, v0;
	_ =	sdelay $0x1  }
0x6c: {  	v4 =	vadd.s32 v1, v4;
	_ =	sdelay $0x3  }
0x6d: {  	s0 =	rddreg [dreg:$0x17];
	v3 =	vperm.xlane v3, v2  }
0x6e: {  	[tilespmem:s0], [sflag:$0x1] =	stream.indirect_vreg.gather [hbm4b:s3+s2], $0x80, v4, vm0, $0xb8;
	[tilespmem:$0x18080] =	vst v63  }
0x6f: {  	s8 =	rddreg [dreg:$0x18];
	v3 =	vadd.s32 v1, v3  }
0x70: {  	[tilespmem:s8], [sflag:$0x1] =	stream.indirect_vreg.gather [hbm4b:s4+s2], $0x80, v4, vm0, $0xb8;
	[tilespmem:$0x18080] =	vst v63  }
0x71: {  	s0 =	rddreg [dreg:$0x19]  }
0x72: {  	[tilespmem:s0], [sflag:$0x1] =	stream.indirect_vreg.gather [hbm4b:s5+s2], $0x80, v4, vm0, $0xb8;
	[tilespmem:$0x18080] =	vst v63  }
0x73: {  	s8 =	rddreg [dreg:$0x1a]  }
0x74: {  	[tilespmem:s8], [sflag:$0x1] =	stream.indirect_vreg.gather [hbm4b:s3+s2], $0x80, v3, vm0, $0xb8;
	[tilespmem:$0x18080] =	vst v63  }
0x75: {  	s0 =	rddreg [dreg:$0x1b]  }
0x76: {  	[tilespmem:s0], [sflag:$0x1] =	stream.indirect_vreg.gather [hbm4b:s4+s2], $0x80, v3, vm0, $0xb8;
	[tilespmem:$0x18080] =	vst v63  }
0x77: {  	s8 =	rddreg [dreg:$0x1c]  }
0x78: {  	[tilespmem:s8], [sflag:$0x1] =	stream.indirect_vreg.gather [hbm4b:s5+s2], $0x80, v3, vm0, $0xb8;
	[tilespmem:$0x18080] =	vst v63  }
0x79: {  	v3 =	vld [tilespmem:$0x18040];
	_ =	sdelay $0x4  }
0x7a: {  	v60 =	vshrl.u32 v3, $0x3  }
0x7b: {  	v4 =	vmul.u32 $0x30, v60  }
0x7c: {  	v3 =	vand.u32 $0x7, v3  }
0x7d: {  	v3 =	vor.u32 v3, v4  }
0x7e: {  	v4 =	vperm.xlane v3, v0;
	_ =	sdelay $0x1  }
0x7f: {  	v4 =	vadd.s32 v1, v4;
	_ =	sdelay $0x3  }
0x80: {  	s8 =	rddreg [dreg:$0x1d];
	v3 =	vperm.xlane v3, v2  }
0x81: {  	[tilespmem:s8], [sflag:$0x1] =	stream.indirect_vreg.gather [hbm4b:s3+s2], $0x80, v4, vm0, $0xb8;
	[tilespmem:$0x18080] =	vst v63  }
0x82: {  	v3 =	vadd.s32 v1, v3;
	s8 =	simm.s32 $0xC800  }
0x83: {  	[tilespmem:s8], [sflag:$0x1] =	stream.indirect_vreg.gather [hbm4b:s4+s2], $0x80, v4, vm0, $0xb8;
	[tilespmem:$0x18080] =	vst v63  }
0x84: {  	_ = 	snop  }
0x85: {  	[tilespmem:s9], [sflag:$0x1] =	stream.indirect_vreg.gather [hbm4b:s5+s2], $0x80, v4, vm0, $0xb8;
	[tilespmem:$0x18080] =	vst v63  }
0x86: {  	_ = 	snop  }
0x87: {  	[tilespmem:s10], [sflag:$0x1] =	stream.indirect_vreg.gather [hbm4b:s3+s2], $0x80, v3, vm0, $0xb8;
	[tilespmem:$0x18080] =	vst v63  }
0x88: {  	_ = 	snop  }
0x89: {  	[tilespmem:s11], [sflag:$0x1] =	stream.indirect_vreg.gather [hbm4b:s4+s2], $0x80, v3, vm0, $0xb8;
	[tilespmem:$0x18080] =	vst v63  }
0x8a: {  	_ = 	snop  }
0x8b: {  	[tilespmem:s12], [sflag:$0x1] =	stream.indirect_vreg.gather [hbm4b:s5+s2], $0x80, v3, vm0, $0xb8;
	[tilespmem:$0x18080] =	vst v63  }
0x8c: {  	v3 =	vld [tilespmem:$0x18050];
	_ =	sdelay $0x4  }
0x8d: {  	v61 =	vshrl.u32 v3, $0x3  }
0x8e: {  	v4 =	vmul.u32 $0x30, v61  }
0x8f: {  	v3 =	vand.u32 $0x7, v3  }
0x90: {  	v3 =	vor.u32 v3, v4  }
0x91: {  	v4 =	vperm.xlane v3, v0;
	_ =	sdelay $0x1  }
0x92: {  	v4 =	vadd.s32 v1, v4;
	_ =	sdelay $0x3  }
0x93: {  	v3 =	vperm.xlane v3, v2  }
0x94: {  	[tilespmem:s13], [sflag:$0x1] =	stream.indirect_vreg.gather [hbm4b:s3+s2], $0x80, v4, vm0, $0xb8;
	[tilespmem:$0x18080] =	vst v63  }
0x95: {  	v3 =	vadd.s32 v1, v3  }
0x96: {  	[tilespmem:s14], [sflag:$0x1] =	stream.indirect_vreg.gather [hbm4b:s4+s2], $0x80, v4, vm0, $0xb8;
	[tilespmem:$0x18080] =	vst v63  }
0x97: {  	_ = 	snop  }
0x98: {  	[tilespmem:s15], [sflag:$0x1] =	stream.indirect_vreg.gather [hbm4b:s5+s2], $0x80, v4, vm0, $0xb8;
	[tilespmem:$0x18080] =	vst v63  }
0x99: {  	_ = 	snop  }
0x9a: {  	[tilespmem:s16], [sflag:$0x1] =	stream.indirect_vreg.gather [hbm4b:s3+s2], $0x80, v3, vm0, $0xb8;
	[tilespmem:$0x18080] =	vst v63  }
0x9b: {  	_ = 	snop  }
0x9c: {  	[tilespmem:s17], [sflag:$0x1] =	stream.indirect_vreg.gather [hbm4b:s4+s2], $0x80, v3, vm0, $0xb8;
	[tilespmem:$0x18080] =	vst v63  }
0x9d: {  	_ = 	snop  }
0x9e: {  	[tilespmem:s18], [sflag:$0x1] =	stream.indirect_vreg.gather [hbm4b:s5+s2], $0x80, v3, vm0, $0xb8;
	[tilespmem:$0x18080] =	vst v63  }
0x9f: {  	v3 =	vld [tilespmem:$0x18060];
	_ =	sdelay $0x4  }
0xa0: {  	v62 =	vshrl.u32 v3, $0x3  }
0xa1: {  	v4 =	vmul.u32 $0x30, v62  }
0xa2: {  	v3 =	vand.u32 $0x7, v3  }
0xa3: {  	v3 =	vor.u32 v3, v4  }
0xa4: {  	v4 =	vperm.xlane v3, v0;
	_ =	sdelay $0x1  }
0xa5: {  	v4 =	vadd.s32 v1, v4;
	_ =	sdelay $0x3  }
0xa6: {  	v3 =	vperm.xlane v3, v2  }
0xa7: {  	[tilespmem:s19], [sflag:$0x1] =	stream.indirect_vreg.gather [hbm4b:s3+s2], $0x80, v4, vm0, $0xb8;
	[tilespmem:$0x18080] =	vst v63  }
0xa8: {  	v3 =	vadd.s32 v1, v3  }
0xa9: {  	[tilespmem:s20], [sflag:$0x1] =	stream.indirect_vreg.gather [hbm4b:s4+s2], $0x80, v4, vm0, $0xb8;
	[tilespmem:$0x18080] =	vst v63  }
0xaa: {  	_ = 	snop  }
0xab: {  	[tilespmem:s21], [sflag:$0x1] =	stream.indirect_vreg.gather [hbm4b:s5+s2], $0x80, v4, vm0, $0xb8;
	[tilespmem:$0x18080] =	vst v63  }
0xac: {  	_ = 	snop  }
0xad: {  	[tilespmem:s22], [sflag:$0x1] =	stream.indirect_vreg.gather [hbm4b:s3+s2], $0x80, v3, vm0, $0xb8;
	[tilespmem:$0x18080] =	vst v63  }
0xae: {  	_ = 	snop  }
0xaf: {  	[tilespmem:s23], [sflag:$0x1] =	stream.indirect_vreg.gather [hbm4b:s4+s2], $0x80, v3, vm0, $0xb8;
	[tilespmem:$0x18080] =	vst v63  }
0xb0: {  	_ = 	snop  }
0xb1: {  	[tilespmem:s24], [sflag:$0x1] =	stream.indirect_vreg.gather [hbm4b:s5+s2], $0x80, v3, vm0, $0xb8;
	[tilespmem:$0x18080] =	vst v63  }
0xb2: {  	v3 =	vld [tilespmem:$0x18070];
	_ =	sdelay $0x4  }
0xb3: {  	v63 =	vshrl.u32 v3, $0x3  }
0xb4: {  	v4 =	vmul.u32 $0x30, v63  }
0xb5: {  	v3 =	vand.u32 $0x7, v3  }
0xb6: {  	v3 =	vor.u32 v3, v4  }
0xb7: {  	v4 =	vperm.xlane v3, v0;
	_ =	sdelay $0x1  }
0xb8: {  	v4 =	vadd.s32 v1, v4;
	_ =	sdelay $0x3  }
0xb9: {  	v3 =	vperm.xlane v3, v2  }
0xba: {  	[tilespmem:s25], [sflag:$0x1] =	stream.indirect_vreg.gather [hbm4b:s3+s2], $0x80, v4, vm0, $0xb8;
	[tilespmem:$0x18080] =	vst v63  }
0xbb: {  	v3 =	vadd.s32 v1, v3  }
0xbc: {  	[tilespmem:s26], [sflag:$0x1] =	stream.indirect_vreg.gather [hbm4b:s4+s2], $0x80, v4, vm0, $0xb8;
	[tilespmem:$0x18080] =	vst v63  }
0xbd: {  	_ = 	snop  }
0xbe: {  	[tilespmem:s28], [sflag:$0x1] =	stream.indirect_vreg.gather [hbm4b:s5+s2], $0x80, v4, vm0, $0xb8;
	[tilespmem:$0x18080] =	vst v63  }
0xbf: {  	_ = 	snop  }
0xc0: {  	[tilespmem:s29], [sflag:$0x1] =	stream.indirect_vreg.gather [hbm4b:s3+s2], $0x80, v3, vm0, $0xb8;
	[tilespmem:$0x18080] =	vst v63  }
0xc1: {  	_ = 	snop  }
0xc2: {  	[tilespmem:s30], [sflag:$0x1] =	stream.indirect_vreg.gather [hbm4b:s4+s2], $0x80, v3, vm0, $0xb8;
	[tilespmem:$0x18080] =	vst v63  }
0xc3: {  	_ = 	snop  }
0xc4: {  	[tilespmem:s31], [sflag:$0x1] =	stream.indirect_vreg.gather [hbm4b:s5+s2], $0x80, v3, vm0, $0xb8;
	[tilespmem:$0x18080] =	vst v63  }
0xc5: {  	_ =	swait.ge [sflag:s1], $0x18000  }
0xc6: {  	p0 =	sne.s32 s6, $0x1;
	[sflag:s1] =	ssyncset.done $0x0  }
.Ltmp0:
0xc7: {  	s8 =	rddreg [dreg:$0x4];
	[sflag:s1] =	ssyncadd.s32 $0xFFFE8000;
	(pc) =	sbr.rel @p0 .LBB2_1-.Ltmp0, $4  }
0xc8: {  	[hbm4b:s8+s2] =	stream.linear.scatter [tilespmem:s2], [sflag:$0x2], $0x18000, $0x38;
	[tilespmem:$0x18080] =	vst v63  }
0xc9: {  	_ =	swait.ge [sflag:s7], $0x18000  }
0xca: {  	[sflag:s7] =	ssyncset.done $0x0  }
0xcb: {  	s6 =	sadd.s32 $0xFFFFFFFF, s6;
	[sflag:s7] =	ssyncadd.s32 $0xFFFE8000  }
0xcc: {  	_ =	sfence.sel $0x180000  }
0xcd: {  	[bflag:$0x0] =	sbarrier.arrive $0xFFFF  }
0xce: {  	_ =	strace $0x9000004A  }
0xcf: {  	s0 =	stileid.u32;
	[bflag:$0x2] =	sbarrier.arrive $0xFFFF  }
0xd0: {  	p0 =	sne.s32 s0, $0x0;
	s0 =	rddreg [dreg:$0x2]  }
0xd1: {  	s0 =	sadd.s32 @!p0 $0x100000, s0  }
0xd2: {  	[sflag:s0] =	ssyncadd.tile.s32 @!p0 $0x1;
	_ =	shalt  }
.Lfunc_end2:
_tile_overlayer_lowered:
.L_overlay_start_2:
0xd3: {  	(tag) =	ssettag $0x2  }
0xd4: {  	s0 =	rddreg [dreg:$0x0];
	s2 =	stileid.u32  }
0xd5: {  	s1 =	rddreg [dreg:$0x1];
	p0 =	sne.s32 s2, $0x0  }
0xd6: {  	s3 =	rddreg [dreg:$0x2];
	[bflag:$0x3] =	sbarrier.arrive $0xFFFF;
	s2 =	simm.s32 @!p0 $0x1C02  }
0xd7: {  	[timem:s3], [sflag:s2] =	dma.local @!p0 [hbm:s0], s1  }
0xd8: {  	s0 =	simm.s32 @!p0 $0x2  }
0xd9: {  	_ =	swait.ge @!p0 [sflag:s0], s1  }
0xda: {  	s1 =	ssub.s32 @!p0 $0x0, s1;
	[sflag:s0] =	ssyncset.done @!p0 $0x0  }
0xdb: {  	[sflag:s0] =	ssyncadd.s32 @!p0 s1  }
0xdc: {  	[bflag:$0x3] =	sbarrier.arrive $0xFFFF  }
0xdd: {  	_ =	shalt  }

// kernel: kernel.7.cloned.1.call-start
scs
__scs_entry_jumppad:
0x0: {  	(pc) =	sbr.rel $0x88, $3  }
0x1: {  	(tag) =	ssettag $0x0;
	lr =	simm.s32 $0x1  }
0x2: {  	[smem:$0x3F93] =	sst lr;
	_ =	strace $0xD0000000  }
0x3: {  	_ = 	snop  }
0x4: {  	_ = 	snop  }
0x5: {  	_ = 	snop  }
0x6: {  	_ = 	snop  }
0x7: {  	_ = 	snop  }
__scs_overlays_trampoline_lowered:
0x8: {  	[smem:$0x3FA2] =	sst s0  }
0x9: {  	[smem:$0x3FA3] =	sst s1  }
0xa: {  	[smem:$0x3FA4] =	sst s2  }
0xb: {  	[smem:$0x3FA5] =	sst s3  }
0xc: {  	[smem:$0x3FA6] =	sst s4  }
0xd: {  	[smem:$0x3FA7] =	sst s5  }
0xe: {  	[smem:$0x3FA8] =	sst s6  }
0xf: {  	[smem:$0x3FA9] =	sst s7  }
0x10: {  	[smem:$0x3FAA] =	sst s8  }
0x11: {  	[smem:$0x3FAB] =	sst s9;
	s0 =	simm.s32 @!p0 $0x0  }
0x12: {  	s1 =	sld [smem:$0x3F91];
	s0 =	simm.s32 @p0 $0x1  }
0x13: {  	[smem:$0x3FAC] =	sst s0;
	s0 =	simm.s32 @!p1 $0x0  }
0x14: {  	s2 =	sld [smem:$0x3F90];
	s0 =	simm.s32 @p1 $0x1  }
0x15: {  	[smem:$0x3FAD] =	sst s0;
	s0 =	simm.s32 @!p2 $0x0  }
0x16: {  	s3 =	sld [smem:$0x3FDB];
	s0 =	simm.s32 @p2 $0x1  }
0x17: {  	s4 =	simm.s32 $0x1BF5;
	[smem:$0x3FAF] =	sst s0  }
0x18: {  	s0 =	sld [smem:$0x3F92];
	_ =	swait.ge [sflag:s4], $0x0  }
0x19: {  	s7 =	sld [smem:$0x3F93]  }
0x1a: {  	s8 =	sadd.s32 $0xFFFFE003, lr  }
0x1b: {  	s9 =	sadd.s32 $0xFFFFFEF7, lr;
	s5 =	simm.s32 $0xFFFFFFFF;
	p2 =	slt.u32 s8, $0xFFFFF086  }
0x1c: {  	p1 =	slt.u32 s9, $0xF7A;
	s5 =	simm.s32 @!p2 $0x0  }
0x1d: {  	s5 =	simm.s32 @p1 $0x1;
	p0 =	seq.s32 s7, s2  }
0x1e: {  	s7 =	smul.u32 @!p0 $0xF7A, s2;
	p2 =	seq.s32 @!p0 s5, $0x0  }
0x1f: {  	s9 =	smul.u32 $0xF7A, s1;
	s8 =	simm.s32 @!p0 $0x1BF5;
	p2 =	por !p2, p0  }
0x20: {  	[sflag:s8] =	ssyncset.s32 @!p0 $0xFFFFF086;
	s6 =	sadd.s32 @!p0 s3, s7;
	s7 =	simm.s32 @!p0 $0x108  }
0x21: {  	s3 =	sadd.s32 s3, s9;
	s6 =	sadd.s32 @!p0 $0x88, s6;
	s7 =	simm.s32 @p2 $0x1082  }
0x22: {  	[simem:s7], [sflag:s8] =	dma.local @!p0 [hbm:s6], $0xF7A  }
0x23: {  	s9 =	sor.u32 $0xD0000000, s2;
	s6 =	simm.s32 $0x108;
	_ =	swait.ge @!p0 [sflag:s8], $0x0  }
0x24: {  	s3 =	sadd.s32 $0x88, s3;
	s6 =	simm.s32 @!p1 $0x1082;
	[sflag:s4] =	ssyncset.s32 $0xFFFFF086  }
0x25: {  	[simem:s6], [sflag:s4] =	dma.local [hbm:s3], $0xF7A  }
0x26: {  	[smem:$0x3F93] =	sst s1;
	(tag) =	ssettag s2;
	_ =	strace s9  }
0x27: {  	s1 =	sld [smem:$0x3FA3]  }
0x28: {  	s2 =	sld [smem:$0x3FA4]  }
0x29: {  	s4 =	sld [smem:$0x3FA6]  }
0x2a: {  	p0 =	seq.s32 s5, $0x0;
	s5 =	sld [smem:$0x3FA7]  }
0x2b: {  	s6 =	sld [smem:$0x3FA8]  }
0x2c: {  	s7 =	sld [smem:$0x3FA9]  }
0x2d: {  	s3 =	simm.s32 $0x108;
	s8 =	sld [smem:$0x3FAA]  }
0x2e: {  	s3 =	simm.s32 @!p0 $0x1082;
	s9 =	sld [smem:$0x3FAB]  }
0x2f: {  	lr =	sadd.s32 s0, s3;
	s0 =	sld [smem:$0x3FA2]  }
0x30: {  	s3 =	sld [smem:$0x3FA5]  }
0x31: {  	[smem:$0x3FAE] =	sst s10  }
0x32: {  	s10 =	sld [smem:$0x3FAC];
	_ =	sdelay $0x3  }
0x33: {  	p0 =	seq.s32 s10, $0x1;
	s10 =	sld [smem:$0x3FAE];
	_ =	sdelay $0x3  }
0x34: {  	[smem:$0x3FAE] =	sst s10  }
0x35: {  	s10 =	sld [smem:$0x3FAD];
	_ =	sdelay $0x3  }
0x36: {  	p1 =	seq.s32 s10, $0x1;
	s10 =	sld [smem:$0x3FAE];
	_ =	sdelay $0x3  }
0x37: {  	[smem:$0x3FAE] =	sst s10  }
0x38: {  	s10 =	sld [smem:$0x3FAF]  }
0x39: {  	_ = 	snop;
	(pc) =	sbr.ind lr, $3  }
0x3a: {  	_ = 	snop  }
0x3b: {  	_ = 	snop  }
0x3c: {  	p2 =	seq.s32 s10, $0x1;
	s10 =	sld [smem:$0x3FAE]  }
0x3d: {  	_ =	shalt  }
0x3e: {  	_ =	shalt  }
0x3f: {  	_ =	shalt  }
0x40: {  	_ =	shalt  }
0x41: {  	_ =	shalt  }
0x42: {  	_ =	shalt  }
0x43: {  	_ =	shalt  }
0x44: {  	_ =	shalt  }
0x45: {  	_ =	shalt  }
0x46: {  	_ =	shalt  }
0x47: {  	_ =	shalt  }
0x48: {  	_ =	shalt  }
0x49: {  	_ =	shalt  }
0x4a: {  	_ =	shalt  }
0x4b: {  	_ =	shalt  }
0x4c: {  	_ =	shalt  }
0x4d: {  	_ =	shalt  }
0x4e: {  	_ =	shalt  }
0x4f: {  	_ =	shalt  }
0x50: {  	_ =	shalt  }
0x51: {  	_ =	shalt  }
0x52: {  	_ =	shalt  }
0x53: {  	_ =	shalt  }
0x54: {  	_ =	shalt  }
0x55: {  	_ =	shalt  }
0x56: {  	_ =	shalt  }
0x57: {  	_ =	shalt  }
0x58: {  	_ =	shalt  }
0x59: {  	_ =	shalt  }
0x5a: {  	_ =	shalt  }
0x5b: {  	_ =	shalt  }
0x5c: {  	_ =	shalt  }
0x5d: {  	_ =	shalt  }
0x5e: {  	_ =	shalt  }
0x5f: {  	_ =	shalt  }
0x60: {  	_ =	shalt  }
0x61: {  	_ =	shalt  }
0x62: {  	_ =	shalt  }
0x63: {  	_ =	shalt  }
0x64: {  	_ =	shalt  }
0x65: {  	_ =	shalt  }
0x66: {  	_ =	shalt  }
0x67: {  	_ =	shalt  }
0x68: {  	_ =	shalt  }
0x69: {  	_ =	shalt  }
0x6a: {  	_ =	shalt  }
0x6b: {  	_ =	shalt  }
0x6c: {  	_ =	shalt  }
0x6d: {  	_ =	shalt  }
0x6e: {  	_ =	shalt  }
0x6f: {  	_ =	shalt  }
0x70: {  	_ =	shalt  }
0x71: {  	_ =	shalt  }
0x72: {  	_ =	shalt  }
0x73: {  	_ =	shalt  }
0x74: {  	_ =	shalt  }
0x75: {  	_ =	shalt  }
0x76: {  	_ =	shalt  }
0x77: {  	_ =	shalt  }
0x78: {  	_ =	shalt  }
0x79: {  	_ =	shalt  }
0x7a: {  	_ =	shalt  }
0x7b: {  	_ =	shalt  }
0x7c: {  	_ =	shalt  }
0x7d: {  	_ =	shalt  }
0x7e: {  	_ =	shalt  }
0x7f: {  	_ =	shalt  }
0x80: {  	_ =	shalt  }
0x81: {  	_ =	shalt  }
0x82: {  	_ =	shalt  }
0x83: {  	_ =	shalt  }
0x84: {  	_ =	shalt  }
0x85: {  	_ =	shalt  }
0x86: {  	_ =	shalt  }
0x87: {  	_ =	shalt  }
.Lfunc_end0:
.L_simem_size_0:
called_computation_lowered:
.L_overlay_start_0:
0x88: {  	s2 =	sld [smem:$0x3FD9]  }
0x89: {  	s3 =	sld [smem:$0x3FFE];
	_ =	sdelay $0x1  }
0x8a: {  	s1 =	srdreg.scid  }
0x8b: {  	s0 =	sand.u32 $0x1, s1  }
0x8c: {  	s17 =	sshll.u32 s0, $0xA;
	s2 =	sadd.s32 s3, s2  }
0x8d: {  	s2 =	sadd.s32 s2, s17  }
0x8e: {  	[smem:$0x3FBA] =	sst s2  }
0x8f: {  	_ = 	snop  }
0x90: {  	s2 =	sld [smem:$0x3FC9]  }
0x91: {  	s18 =	sld [smem:$0x3FD0];
	(tm) =	ssettm $0x1  }
0x92: {  	s4 =	sld [smem:$0x3FFB];
	_ =	sdelay $0x3  }
0x93: {  	_ =	strace s4  }
0x94: {  	s4 =	sld [smem:$0x3FFC];
	_ =	sdelay $0x3  }
0x95: {  	_ =	strace s4  }
0x96: {  	s4 =	sld [smem:$0x3FFD];
	_ =	sdelay $0x3  }
0x97: {  	_ =	strace s4  }
0x98: {  	_ =	strace $0x8FFFFFFF  }
0x99: {  	s19 =	sld [smem:$0x3FDB];
	_ =	sdelay $0x1  }
0x9a: {  	s5 =	simm.s32 $_scs_section_size  }
0x9b: {  	s6 =	simm.s32 $_size__tile_overlayer_lowered;
	s7 =	simm.s32 $_tile_overlayer_lowered  }
0x9c: {  	s22 =	simm.s32 $0x1BFF;
	s21 =	sshll.u32 s7, $0x1;
	s4 =	sadd.s32 s5, s19  }
0x9d: {  	s8 =	simm.s32 $0x0;
	s20 =	sshll.u32 s6, $0x1;
	s6 =	sadd.s32 s21, s4  }
0x9e: {  	[timem:s8], [sflag:s22] =	dma.local [hbm:s6], s20  }
0x9f: {  	_ =	swait.ge [sflag:s22], s20  }
0xa0: {  	s5 =	ssub.s32 $0x0, s20;
	[sflag:s22] =	ssyncset.done $0x0  }
0xa1: {  	[sflag:s22] =	ssyncadd.s32 s5;
	_ =	sdelay $0x1  }
0xa2: {  	s23 =	simm.s32 $0x1B8B  }
0xa3: {  	_ =	swait.ge [sflag:s23], $0x1  }
0xa4: {  	[sflag:s23] =	ssyncset.done $0x0  }
0xa5: {  	s25 =	simm.s32 $0x1B8E;
	s24 =	sld [smem:$0x3FFE];
	[sflag:s23] =	ssyncadd.s32 $0xFFFFFFFF  }
0xa6: {  	s26 =	simm.s32 $execute0_lowered;
	[smem:$0x3FD2] =	sst s25  }
0xa7: {  	s6 =	sshll.u32 s26, $0x1;
	_ =	strace $0x80000046;
	[dreg:$0x1] =	wrdreg $0xFFFFFFFF  }
0xa8: {  	s28 =	simm.s32 $_size_execute0_lowered;
	s4 =	sadd.s32 s4, s6;
	[dreg:$0x0] =	wrdreg $0x0  }
0xa9: {  	s6 =	sshll.u32 s28, $0x1;
	[dreg:$0x2] =	wrdreg s4  }
0xaa: {  	[dreg:$0x3] =	wrdreg s6  }
0xab: {  	[dreg:$0x4] =	wrdreg $0xC0  }
0xac: {  	_ =	task [dreg:s8], $0x5FFFF  }
0xad: {  	[dreg:$0x1] =	wrdreg $0xFFFFFFFF  }
0xae: {  	[dreg:$0x0] =	wrdreg $0x60  }
0xaf: {  	[dreg:$0x2] =	wrdreg s2  }
0xb0: {  	[dreg:$0x3] =	wrdreg s18  }
0xb1: {  	[dreg:$0x4] =	wrdreg s24  }
0xb2: {  	[dreg:$0x5] =	wrdreg $0x9  }
0xb3: {  	_ =	task.clear_ibuf [dreg:s8], $0x6FFFF;
	_ =	strace $0x90000046  }
0xb4: {  	s29 =	simm.s32 $0x9;
	_ =	strace $0x80000048  }
0xb5: {  	_ =	swait.ge [sflag:s29], $0x1  }
0xb6: {  	[sflag:s29] =	ssyncadd.s32 $0xFFFFFFFF  }
0xb7: {  	_ =	strace $0x90000048  }
0xb8: {  	_ =	sfence  }
0xb9: {  	s30 =	sld [smem:$0x0];
	_ =	sdelay $0x2  }
0xba: {  	s31 =	sshll.u32 s1, $0xD;
	s1 =	sshrl.u32 s1, $0x2  }
0xbb: {  	s3 =	sand.u32 $0x4000, s31;
	s1 =	sadd.s32 s1, s30  }
0xbc: {  	s0 =	sor.u32 s3, s0;
	s1 =	sshll.u32 s1, $0x11  }
0xbd: {  	s0 =	sor.u32 s1, s0  }
0xbe: {  	s0 =	sadd.s32 $0x8F2B, s0  }
0xbf: {  	[sflag:s0] =	ssyncadd.remote.s32 $0x1  }
0xc0: {  	_ =	sfence.sel $0xFFFF  }
0xc1: {  	[dreg:$0x0] =	wrdreg $0xFFFFFFFF;
	(pc) =	sbr.abs _section_cstart, $3  }
0xc2: {  	[dreg:$0x1] =	wrdreg $0xFFFFFFFF  }
0xc3: {  	_ =	task.clear_ibuf [dreg:s8], $0x2FFFF;
	_ =	strace $0x9FFFFFFF  }
0xc4: {  	(tm) =	ssettm $0x7FFFFFFF  }
0xc5: {  	_ =	shalt  }
tec
execute0_lowered:
.L_overlay_start_1:
0x0: {  	(tag) =	ssettag $0x1  }
0x1: {  	s0 =	rddreg [dreg:$0x0]  }
0x2: {  	s1 =	rddreg [dreg:$0x1]  }
0x3: {  	s6 =	rddreg [dreg:$0x2]  }
0x4: {  	s3 =	srdreg.scid;
	s2 =	simm.s32 $0x0;
	s4 =	stileid.u32  }
0x5: {  	s25 =	simm.s32 $0xC000;
	s26 =	simm.s32 $0xC080;
	s10 =	simm.s32 $0x1000  }
0x6: {  	s11 =	simm.s32 $0x1800;
	s12 =	simm.s32 $0x2000;
	s13 =	simm.s32 $0x2800  }
0x7: {  	s14 =	simm.s32 $0x3000;
	s15 =	simm.s32 $0x3800;
	s16 =	simm.s32 $0x4000  }
0x8: {  	s17 =	simm.s32 $0x4800;
	s18 =	simm.s32 $0x5000;
	s19 =	simm.s32 $0x5800  }
0x9: {  	s20 =	simm.s32 $0x6000;
	s21 =	simm.s32 $0x6800;
	s28 =	simm.s32 $0x9800  }
0xa: {  	s29 =	simm.s32 $0xA000;
	s30 =	simm.s32 $0xA800;
	s31 =	simm.s32 $0xB000  }
0xb: {  	s3 =	sand.u32 $0x1, s3;
	[smem:$0x7FF] =	sst s2;
	s4 =	sshll.u32 s4, $0x4  }
0xc: {  	s5 =	sshll.u32 s3, $0x3;
	_ =	strace $0x80000047;
	[dreg:$0x6] =	wrdreg s25  }
0xd: {  	s22 =	ssub.s32 $0x2, s3;
	[dreg:$0x7] =	wrdreg s26;
	s25 =	simm.s32 $0x8800  }
0xe: {  	s26 =	simm.s32 $0x9000;
	s4 =	sor.u32 s5, s4;
	s7 =	sshrl.u32 s22, $0x1  }
0xf: {  	s5 =	sadd.s32 $0x1B00, s6;
	s23 =	sadd.s32 s1, s4;
	s24 =	smul.u32 $0x300, s4  }
0x10: {  	s4 =	sadd.s32 $0x1A00, s6;
	s7 =	ssub.s32 s22, s7;
	s6 =	sadd.s32 $0x1C00, s6  }
0x11: {  	s22 =	simm.s32 $0x7000;
	s1 =	simm.s32 $0x1;
	[dreg:$0x8] =	wrdreg s23  }
0x12: {  	v2 =	vlaneseq.u32;
	s8 =	sadd.s32 $0x100, s23;
	s7 =	smax.u32 s7, $0x1;
	s23 =	simm.s32 $0x7800  }
0x13: {  	vm0 =	vmmov $0xffff;
	v1 =	vshrl.u32 v2, $0x3;
	[dreg:$0x4] =	wrdreg s8;
	s0 =	sadd.s32 s0, s24;
	s8 =	simm.s32 $0x2  }
0x14: {  	v0 =	vand.u32 $0x7, v2;
	v2 =	vor.u32 $0x8, v2;
	v1 =	vmul.u32 $0x8, v1;
	s24 =	simm.s32 $0x8000;
	[dreg:$0x5] =	wrdreg s0;
	s0 =	simm.s32 $0xB800  }
.LBB2_1:
0x15: {  	s3 =	rddreg [dreg:$0x6]  }
0x16: {  	s9 =	rddreg [dreg:$0x8]  }
0x17: {  	[tilespmem:s3], [sflag:$0x2] =	stream.linear.gather [hbm4b:s9+s2], $0x40, $0x38;
	[tilespmem:$0xC100] =	vst v63  }
0x18: {  	_ =	swait.ge [sflag:s8], $0x40  }
0x19: {  	s3 =	rddreg [dreg:$0x4];
	[sflag:s8] =	ssyncset.done $0x0  }
0x1a: {  	s9 =	rddreg [dreg:$0x7];
	[sflag:s8] =	ssyncadd.s32 $0xFFFFFFC0  }
0x1b: {  	[tilespmem:s9], [sflag:$0x2] =	stream.linear.gather [hbm4b:s3+s2], $0x40, $0x38;
	[tilespmem:$0xC100] =	vst v63  }
0x1c: {  	_ =	swait.ge [sflag:s8], $0x40  }
0x1d: {  	[sflag:s8] =	ssyncset.done $0x0  }
0x1e: {  	s9 =	rddreg [dreg:$0x5];
	[sflag:s8] =	ssyncadd.s32 $0xFFFFFFC0  }
0x1f: {  	[tilespmem:s2], [sflag:$0x2] =	stream.linear.gather [hbm4b:s9+s2], $0xC000, $0x38;
	[tilespmem:$0xC100] =	vst v63  }
0x20: {  	_ =	swait.ge [sflag:s8], $0xC000  }
0x21: {  	[sflag:s8] =	ssyncset.done $0x0  }
0x22: {  	[sflag:s8] =	ssyncadd.s32 $0xFFFF4000  }
0x23: {  	v3 =	vld [tilespmem:$0xC000];
	_ =	sdelay $0x4  }
0x24: {  	v4 =	vshrl.u32 v3, $0x3  }
0x25: {  	v4 =	vmul.u32 $0x30, v4  }
0x26: {  	v3 =	vand.u32 $0x7, v3  }
0x27: {  	v3 =	vor.u32 v3, v4  }
0x28: {  	v4 =	vperm.xlane v3, v0;
	_ =	sdelay $0x1  }
0x29: {  	v4 =	vadd.s32 v1, v4;
	_ =	sdelay $0x3  }
0x2a: {  	v3 =	vperm.xlane v3, v2  }
0x2b: {  	[hbm4b:s4+s2] =	stream.indirect_vreg.scatter [tilespmem:s2], [sflag:$0x1], $0x80, v4, vm0, $0xb8;
	[tilespmem:$0xC100] =	vst v63  }
0x2c: {  	s9 =	simm.s32 $0x800;
	v3 =	vadd.s32 v1, v3  }
0x2d: {  	[hbm4b:s5+s2] =	stream.indirect_vreg.scatter [tilespmem:s9], [sflag:$0x1], $0x80, v4, vm0, $0xb8;
	[tilespmem:$0xC100] =	vst v63  }
0x2e: {  	_ = 	snop  }
0x2f: {  	[hbm4b:s6+s2] =	stream.indirect_vreg.scatter [tilespmem:s10], [sflag:$0x1], $0x80, v4, vm0, $0xb8;
	[tilespmem:$0xC100] =	vst v63  }
0x30: {  	_ = 	snop  }
0x31: {  	[hbm4b:s4+s2] =	stream.indirect_vreg.scatter [tilespmem:s11], [sflag:$0x1], $0x80, v3, vm0, $0xb8;
	[tilespmem:$0xC100] =	vst v63  }
0x32: {  	_ = 	snop  }
0x33: {  	[hbm4b:s5+s2] =	stream.indirect_vreg.scatter [tilespmem:s12], [sflag:$0x1], $0x80, v3, vm0, $0xb8;
	[tilespmem:$0xC100] =	vst v63  }
0x34: {  	_ = 	snop  }
0x35: {  	[hbm4b:s6+s2] =	stream.indirect_vreg.scatter [tilespmem:s13], [sflag:$0x1], $0x80, v3, vm0, $0xb8;
	[tilespmem:$0xC100] =	vst v63  }
0x36: {  	v3 =	vld [tilespmem:$0xC010];
	_ =	sdelay $0x4  }
0x37: {  	v57 =	vshrl.u32 v3, $0x3  }
0x38: {  	v4 =	vmul.u32 $0x30, v57  }
0x39: {  	v3 =	vand.u32 $0x7, v3  }
0x3a: {  	v3 =	vor.u32 v3, v4  }
0x3b: {  	v4 =	vperm.xlane v3, v0;
	_ =	sdelay $0x1  }
0x3c: {  	v4 =	vadd.s32 v1, v4;
	_ =	sdelay $0x3  }
0x3d: {  	v3 =	vperm.xlane v3, v2  }
0x3e: {  	[hbm4b:s4+s2] =	stream.indirect_vreg.scatter [tilespmem:s14], [sflag:$0x1], $0x80, v4, vm0, $0xb8;
	[tilespmem:$0xC100] =	vst v63  }
0x3f: {  	v3 =	vadd.s32 v1, v3  }
0x40: {  	[hbm4b:s5+s2] =	stream.indirect_vreg.scatter [tilespmem:s15], [sflag:$0x1], $0x80, v4, vm0, $0xb8;
	[tilespmem:$0xC100] =	vst v63  }
0x41: {  	_ = 	snop  }
0x42: {  	[hbm4b:s6+s2] =	stream.indirect_vreg.scatter [tilespmem:s16], [sflag:$0x1], $0x80, v4, vm0, $0xb8;
	[tilespmem:$0xC100] =	vst v63  }
0x43: {  	_ = 	snop  }
0x44: {  	[hbm4b:s4+s2] =	stream.indirect_vreg.scatter [tilespmem:s17], [sflag:$0x1], $0x80, v3, vm0, $0xb8;
	[tilespmem:$0xC100] =	vst v63  }
0x45: {  	_ = 	snop  }
0x46: {  	[hbm4b:s5+s2] =	stream.indirect_vreg.scatter [tilespmem:s18], [sflag:$0x1], $0x80, v3, vm0, $0xb8;
	[tilespmem:$0xC100] =	vst v63  }
0x47: {  	_ = 	snop  }
0x48: {  	[hbm4b:s6+s2] =	stream.indirect_vreg.scatter [tilespmem:s19], [sflag:$0x1], $0x80, v3, vm0, $0xb8;
	[tilespmem:$0xC100] =	vst v63  }
0x49: {  	v3 =	vld [tilespmem:$0xC020];
	_ =	sdelay $0x4  }
0x4a: {  	v58 =	vshrl.u32 v3, $0x3  }
0x4b: {  	v4 =	vmul.u32 $0x30, v58  }
0x4c: {  	v3 =	vand.u32 $0x7, v3  }
0x4d: {  	v3 =	vor.u32 v3, v4  }
0x4e: {  	v4 =	vperm.xlane v3, v0;
	_ =	sdelay $0x1  }
0x4f: {  	v4 =	vadd.s32 v1, v4;
	_ =	sdelay $0x3  }
0x50: {  	v3 =	vperm.xlane v3, v2  }
0x51: {  	[hbm4b:s4+s2] =	stream.indirect_vreg.scatter [tilespmem:s20], [sflag:$0x1], $0x80, v4, vm0, $0xb8;
	[tilespmem:$0xC100] =	vst v63  }
0x52: {  	v3 =	vadd.s32 v1, v3  }
0x53: {  	[hbm4b:s5+s2] =	stream.indirect_vreg.scatter [tilespmem:s21], [sflag:$0x1], $0x80, v4, vm0, $0xb8;
	[tilespmem:$0xC100] =	vst v63  }
0x54: {  	_ = 	snop  }
0x55: {  	[hbm4b:s6+s2] =	stream.indirect_vreg.scatter [tilespmem:s22], [sflag:$0x1], $0x80, v4, vm0, $0xb8;
	[tilespmem:$0xC100] =	vst v63  }
0x56: {  	_ = 	snop  }
0x57: {  	[hbm4b:s4+s2] =	stream.indirect_vreg.scatter [tilespmem:s23], [sflag:$0x1], $0x80, v3, vm0, $0xb8;
	[tilespmem:$0xC100] =	vst v63  }
0x58: {  	_ = 	snop  }
0x59: {  	[hbm4b:s5+s2] =	stream.indirect_vreg.scatter [tilespmem:s24], [sflag:$0x1], $0x80, v3, vm0, $0xb8;
	[tilespmem:$0xC100] =	vst v63  }
0x5a: {  	_ = 	snop  }
0x5b: {  	[hbm4b:s6+s2] =	stream.indirect_vreg.scatter [tilespmem:s25], [sflag:$0x1], $0x80, v3, vm0, $0xb8;
	[tilespmem:$0xC100] =	vst v63  }
0x5c: {  	v3 =	vld [tilespmem:$0xC030];
	_ =	sdelay $0x4  }
0x5d: {  	v59 =	vshrl.u32 v3, $0x3  }
0x5e: {  	v4 =	vmul.u32 $0x30, v59  }
0x5f: {  	v3 =	vand.u32 $0x7, v3  }
0x60: {  	v3 =	vor.u32 v3, v4  }
0x61: {  	v4 =	vperm.xlane v3, v0;
	_ =	sdelay $0x1  }
0x62: {  	v4 =	vadd.s32 v1, v4;
	_ =	sdelay $0x3  }
0x63: {  	v3 =	vperm.xlane v3, v2  }
0x64: {  	[hbm4b:s4+s2] =	stream.indirect_vreg.scatter [tilespmem:s26], [sflag:$0x1], $0x80, v4, vm0, $0xb8;
	[tilespmem:$0xC100] =	vst v63  }
0x65: {  	v3 =	vadd.s32 v1, v3  }
0x66: {  	[hbm4b:s5+s2] =	stream.indirect_vreg.scatter [tilespmem:s28], [sflag:$0x1], $0x80, v4, vm0, $0xb8;
	[tilespmem:$0xC100] =	vst v63  }
0x67: {  	_ = 	snop  }
0x68: {  	[hbm4b:s6+s2] =	stream.indirect_vreg.scatter [tilespmem:s29], [sflag:$0x1], $0x80, v4, vm0, $0xb8;
	[tilespmem:$0xC100] =	vst v63  }
0x69: {  	_ = 	snop  }
0x6a: {  	[hbm4b:s4+s2] =	stream.indirect_vreg.scatter [tilespmem:s30], [sflag:$0x1], $0x80, v3, vm0, $0xb8;
	[tilespmem:$0xC100] =	vst v63  }
0x6b: {  	_ = 	snop  }
0x6c: {  	[hbm4b:s5+s2] =	stream.indirect_vreg.scatter [tilespmem:s31], [sflag:$0x1], $0x80, v3, vm0, $0xb8;
	[tilespmem:$0xC100] =	vst v63  }
0x6d: {  	_ = 	snop  }
0x6e: {  	[hbm4b:s6+s2] =	stream.indirect_vreg.scatter [tilespmem:s0], [sflag:$0x1], $0x80, v3, vm0, $0xb8;
	[tilespmem:$0xC100] =	vst v63  }
0x6f: {  	v3 =	vld [tilespmem:$0xC080];
	_ =	sdelay $0x4  }
0x70: {  	v60 =	vshrl.u32 v3, $0x3  }
0x71: {  	v4 =	vmul.u32 $0x30, v60  }
0x72: {  	v3 =	vand.u32 $0x7, v3  }
0x73: {  	v3 =	vor.u32 v3, v4  }
0x74: {  	v4 =	vperm.xlane v3, v0;
	_ =	sdelay $0x1  }
0x75: {  	v4 =	vadd.s32 v1, v4;
	_ =	sdelay $0x3  }
0x76: {  	v3 =	vperm.xlane v3, v2  }
0x77: {  	[hbm4b:s4+s2] =	stream.indirect_vreg.scatter [tilespmem:s2], [sflag:$0x1], $0x80, v4, vm0, $0xb8;
	[tilespmem:$0xC100] =	vst v63  }
0x78: {  	v3 =	vadd.s32 v1, v3  }
0x79: {  	[hbm4b:s5+s2] =	stream.indirect_vreg.scatter [tilespmem:s9], [sflag:$0x1], $0x80, v4, vm0, $0xb8;
	[tilespmem:$0xC100] =	vst v63  }
0x7a: {  	_ = 	snop  }
0x7b: {  	[hbm4b:s6+s2] =	stream.indirect_vreg.scatter [tilespmem:s10], [sflag:$0x1], $0x80, v4, vm0, $0xb8;
	[tilespmem:$0xC100] =	vst v63  }
0x7c: {  	_ = 	snop  }
0x7d: {  	[hbm4b:s4+s2] =	stream.indirect_vreg.scatter [tilespmem:s11], [sflag:$0x1], $0x80, v3, vm0, $0xb8;
	[tilespmem:$0xC100] =	vst v63  }
0x7e: {  	_ = 	snop  }
0x7f: {  	[hbm4b:s5+s2] =	stream.indirect_vreg.scatter [tilespmem:s12], [sflag:$0x1], $0x80, v3, vm0, $0xb8;
	[tilespmem:$0xC100] =	vst v63  }
0x80: {  	_ = 	snop  }
0x81: {  	[hbm4b:s6+s2] =	stream.indirect_vreg.scatter [tilespmem:s13], [sflag:$0x1], $0x80, v3, vm0, $0xb8;
	[tilespmem:$0xC100] =	vst v63  }
0x82: {  	v3 =	vld [tilespmem:$0xC090];
	_ =	sdelay $0x4  }
0x83: {  	v61 =	vshrl.u32 v3, $0x3  }
0x84: {  	v4 =	vmul.u32 $0x30, v61  }
0x85: {  	v3 =	vand.u32 $0x7, v3  }
0x86: {  	v3 =	vor.u32 v3, v4  }
0x87: {  	v4 =	vperm.xlane v3, v0;
	_ =	sdelay $0x1  }
0x88: {  	v4 =	vadd.s32 v1, v4;
	_ =	sdelay $0x3  }
0x89: {  	v3 =	vperm.xlane v3, v2  }
0x8a: {  	[hbm4b:s4+s2] =	stream.indirect_vreg.scatter [tilespmem:s14], [sflag:$0x1], $0x80, v4, vm0, $0xb8;
	[tilespmem:$0xC100] =	vst v63  }
0x8b: {  	v3 =	vadd.s32 v1, v3  }
0x8c: {  	[hbm4b:s5+s2] =	stream.indirect_vreg.scatter [tilespmem:s15], [sflag:$0x1], $0x80, v4, vm0, $0xb8;
	[tilespmem:$0xC100] =	vst v63  }
0x8d: {  	_ = 	snop  }
0x8e: {  	[hbm4b:s6+s2] =	stream.indirect_vreg.scatter [tilespmem:s16], [sflag:$0x1], $0x80, v4, vm0, $0xb8;
	[tilespmem:$0xC100] =	vst v63  }
0x8f: {  	_ = 	snop  }
0x90: {  	[hbm4b:s4+s2] =	stream.indirect_vreg.scatter [tilespmem:s17], [sflag:$0x1], $0x80, v3, vm0, $0xb8;
	[tilespmem:$0xC100] =	vst v63  }
0x91: {  	_ = 	snop  }
0x92: {  	[hbm4b:s5+s2] =	stream.indirect_vreg.scatter [tilespmem:s18], [sflag:$0x1], $0x80, v3, vm0, $0xb8;
	[tilespmem:$0xC100] =	vst v63  }
0x93: {  	_ = 	snop  }
0x94: {  	[hbm4b:s6+s2] =	stream.indirect_vreg.scatter [tilespmem:s19], [sflag:$0x1], $0x80, v3, vm0, $0xb8;
	[tilespmem:$0xC100] =	vst v63  }
0x95: {  	v3 =	vld [tilespmem:$0xC0A0];
	_ =	sdelay $0x4  }
0x96: {  	v62 =	vshrl.u32 v3, $0x3  }
0x97: {  	v4 =	vmul.u32 $0x30, v62  }
0x98: {  	v3 =	vand.u32 $0x7, v3  }
0x99: {  	v3 =	vor.u32 v3, v4  }
0x9a: {  	v4 =	vperm.xlane v3, v0;
	_ =	sdelay $0x1  }
0x9b: {  	v4 =	vadd.s32 v1, v4;
	_ =	sdelay $0x3  }
0x9c: {  	v3 =	vperm.xlane v3, v2  }
0x9d: {  	[hbm4b:s4+s2] =	stream.indirect_vreg.scatter [tilespmem:s20], [sflag:$0x1], $0x80, v4, vm0, $0xb8;
	[tilespmem:$0xC100] =	vst v63  }
0x9e: {  	v3 =	vadd.s32 v1, v3  }
0x9f: {  	[hbm4b:s5+s2] =	stream.indirect_vreg.scatter [tilespmem:s21], [sflag:$0x1], $0x80, v4, vm0, $0xb8;
	[tilespmem:$0xC100] =	vst v63  }
0xa0: {  	_ = 	snop  }
0xa1: {  	[hbm4b:s6+s2] =	stream.indirect_vreg.scatter [tilespmem:s22], [sflag:$0x1], $0x80, v4, vm0, $0xb8;
	[tilespmem:$0xC100] =	vst v63  }
0xa2: {  	_ = 	snop  }
0xa3: {  	[hbm4b:s4+s2] =	stream.indirect_vreg.scatter [tilespmem:s23], [sflag:$0x1], $0x80, v3, vm0, $0xb8;
	[tilespmem:$0xC100] =	vst v63  }
0xa4: {  	_ = 	snop  }
0xa5: {  	[hbm4b:s5+s2] =	stream.indirect_vreg.scatter [tilespmem:s24], [sflag:$0x1], $0x80, v3, vm0, $0xb8;
	[tilespmem:$0xC100] =	vst v63  }
0xa6: {  	_ = 	snop  }
0xa7: {  	[hbm4b:s6+s2] =	stream.indirect_vreg.scatter [tilespmem:s25], [sflag:$0x1], $0x80, v3, vm0, $0xb8;
	[tilespmem:$0xC100] =	vst v63  }
0xa8: {  	v3 =	vld [tilespmem:$0xC0B0];
	_ =	sdelay $0x4  }
0xa9: {  	v63 =	vshrl.u32 v3, $0x3  }
0xaa: {  	v4 =	vmul.u32 $0x30, v63  }
0xab: {  	v3 =	vand.u32 $0x7, v3  }
0xac: {  	v3 =	vor.u32 v3, v4  }
0xad: {  	v4 =	vperm.xlane v3, v0;
	_ =	sdelay $0x1  }
0xae: {  	v4 =	vadd.s32 v1, v4;
	_ =	sdelay $0x3  }
0xaf: {  	v3 =	vperm.xlane v3, v2  }
0xb0: {  	[hbm4b:s4+s2] =	stream.indirect_vreg.scatter [tilespmem:s26], [sflag:$0x1], $0x80, v4, vm0, $0xb8;
	[tilespmem:$0xC100] =	vst v63  }
0xb1: {  	v3 =	vadd.s32 v1, v3  }
0xb2: {  	[hbm4b:s5+s2] =	stream.indirect_vreg.scatter [tilespmem:s28], [sflag:$0x1], $0x80, v4, vm0, $0xb8;
	[tilespmem:$0xC100] =	vst v63  }
0xb3: {  	_ = 	snop  }
0xb4: {  	[hbm4b:s6+s2] =	stream.indirect_vreg.scatter [tilespmem:s29], [sflag:$0x1], $0x80, v4, vm0, $0xb8;
	[tilespmem:$0xC100] =	vst v63  }
0xb5: {  	_ = 	snop  }
0xb6: {  	[hbm4b:s4+s2] =	stream.indirect_vreg.scatter [tilespmem:s30], [sflag:$0x1], $0x80, v3, vm0, $0xb8;
	[tilespmem:$0xC100] =	vst v63  }
0xb7: {  	_ = 	snop  }
0xb8: {  	[hbm4b:s5+s2] =	stream.indirect_vreg.scatter [tilespmem:s31], [sflag:$0x1], $0x80, v3, vm0, $0xb8;
	[tilespmem:$0xC100] =	vst v63  }
0xb9: {  	_ = 	snop  }
0xba: {  	[hbm4b:s6+s2] =	stream.indirect_vreg.scatter [tilespmem:s0], [sflag:$0x1], $0x80, v3, vm0, $0xb8;
	[tilespmem:$0xC100] =	vst v63  }
0xbb: {  	p0 =	sne.s32 s7, $0x1;
	_ =	swait.ge [sflag:s1], $0xC000  }
.Ltmp0:
0xbc: {  	[sflag:s1] =	ssyncset.done $0x0;
	(pc) =	sbr.rel @p0 .LBB2_1-.Ltmp0, $4  }
0xbd: {  	[sflag:s1] =	ssyncadd.s32 $0xFFFF4000  }
0xbe: {  	_ =	swait.ge [sflag:s1], $0xC000  }
0xbf: {  	[sflag:s1] =	ssyncset.done $0x0  }
0xc0: {  	s7 =	sadd.s32 $0xFFFFFFFF, s7;
	[sflag:s1] =	ssyncadd.s32 $0xFFFF4000  }
0xc1: {  	_ =	sfence.sel $0x180000  }
0xc2: {  	[bflag:$0x0] =	sbarrier.arrive $0xFFFF  }
0xc3: {  	_ =	strace $0x90000047  }
0xc4: {  	s0 =	stileid.u32;
	[bflag:$0x2] =	sbarrier.arrive $0xFFFF  }
0xc5: {  	p0 =	sne.s32 s0, $0x0;
	s0 =	rddreg [dreg:$0x3]  }
0xc6: {  	s0 =	sadd.s32 @!p0 $0x100000, s0  }
0xc7: {  	[sflag:s0] =	ssyncadd.tile.s32 @!p0 $0x1;
	_ =	shalt  }
.Lfunc_end2:
_tile_overlayer_lowered:
.L_overlay_start_2:
0xc8: {  	(tag) =	ssettag $0x2  }
0xc9: {  	s0 =	rddreg [dreg:$0x0];
	s2 =	stileid.u32  }
0xca: {  	s1 =	rddreg [dreg:$0x1];
	p0 =	sne.s32 s2, $0x0  }
0xcb: {  	s3 =	rddreg [dreg:$0x2];
	[bflag:$0x3] =	sbarrier.arrive $0xFFFF;
	s2 =	simm.s32 @!p0 $0x1C02  }
0xcc: {  	[timem:s3], [sflag:s2] =	dma.local @!p0 [hbm:s0], s1  }
0xcd: {  	s0 =	simm.s32 @!p0 $0x2  }
0xce: {  	_ =	swait.ge @!p0 [sflag:s0], s1  }
0xcf: {  	s1 =	ssub.s32 @!p0 $0x0, s1;
	[sflag:s0] =	ssyncset.done @!p0 $0x0  }
0xd0: {  	[sflag:s0] =	ssyncadd.s32 @!p0 s1  }
0xd1: {  	[bflag:$0x3] =	sbarrier.arrive $0xFFFF  }
0xd2: {  	_ =	shalt  }

</sc_bundles>
